<compile_context>
chip_gen: v7x
topology: tpu7x:2x2x1
jax: 0.10.2.dev20260603
libtpu: 0.0.44.dev20260713+nightly
codegen_flags: <defaults>
</compile_context>

<pallas_src>
import functools

import jax
import jax.numpy as jnp
from jax import lax
from jax.experimental import pallas as pl
from jax.experimental.pallas import tpu as pltpu
from jax.experimental.pallas import tpu_sc as plsc

N = 10000
E = 160000
D = 256
DC = 128

NC, NS = 2, 16
NP = 10240
EP = 163840
G = 128
NBUF = 2
NB = EP // G
BA = NB // NS
BP = BA // 2
GD = 128
ND = EP // GD
BD = ND // (NC * NS)
ZR = NP // NS
PAD_ROW = N + 100
PAD_COL = N

_CP = pltpu.CompilerParams(needs_layout_passes=False)


def _sc_mesh():
    return plsc.VectorSubcoreMesh(core_axis_name="c", subcore_axis_name="s")


def _sc_degree(rows2d):

    @functools.partial(
        pl.kernel,
        out_type=jax.ShapeDtypeStruct((NC, NP), jnp.float32),
        mesh=_sc_mesh(),
        compiler_params=_CP,
        scratch_types=[
            pltpu.VMEM((BD, GD), jnp.int32),
            pltpu.VMEM((GD,), jnp.float32),
            pltpu.VMEM((ZR,), jnp.float32),
            pltpu.VMEM_SHARED((NP,), jnp.float32),
        ],
    )
    def deg_kernel(rows_hbm, out_hbm, erow, ones, zeros, acc):
        c = lax.axis_index("c")
        s = lax.axis_index("s")
        ones16 = jnp.ones((16,), jnp.float32)
        zeros16 = jnp.zeros((16,), jnp.float32)

        @pl.loop(0, GD // 16)
        def _(i):
            ones[pl.ds(i * 16, 16)] = ones16

        @pl.loop(0, ZR // 16)
        def _(i):
            zeros[pl.ds(i * 16, 16)] = zeros16

        pltpu.sync_copy(rows_hbm.at[pl.ds((c * NS + s) * BD, BD)], erow)
        pltpu.sync_copy(zeros, acc.at[pl.ds(s * ZR, ZR)])
        plsc.subcore_barrier()

        @pl.loop(0, BD)
        def _(j):
            pltpu.sync_copy(ones, acc.at[erow.at[j]], add=True)

        plsc.subcore_barrier()
        pltpu.sync_copy(acc.at[pl.ds(s * ZR, ZR)],
                        out_hbm.at[c].at[pl.ds(s * ZR, ZR)])

    return deg_kernel(rows2d)


def _norm_body(x_ref, hist_ref, g_ref, bt_ref, hs_ref, dis_ref, *, bm):
    i = pl.program_id(0)
    xb = x_ref[...]
    mu = jnp.mean(xb, axis=1, keepdims=True)
    xc = xb - mu
    var = jnp.mean(xc * xc, axis=1, keepdims=True)
    h = xc * lax.rsqrt(var + 1e-5) * g_ref[...] + bt_ref[...]
    deg = jnp.sum(hist_ref[...], axis=1, keepdims=True) + 1.0
    dis = lax.rsqrt(deg)
    row = i * bm + lax.broadcasted_iota(jnp.int32, (bm, 1), 0)
    hs = jnp.where(row < N, h * dis, 0.0)
    hs_ref[0] = hs[:, :DC]
    hs_ref[1] = hs[:, DC:]
    dis_ref[...] = dis


def _tc_norm_scale(x_pad, hist_t, gamma2, beta2):
    bm = 512
    return pl.pallas_call(
        functools.partial(_norm_body, bm=bm),
        grid=(NP // bm,),
        in_specs=[
            pl.BlockSpec((bm, D), lambda i: (i, 0)),
            pl.BlockSpec((bm, NC), lambda i: (i, 0)),
            pl.BlockSpec((1, D), lambda i: (0, 0)),
            pl.BlockSpec((1, D), lambda i: (0, 0)),
        ],
        out_specs=[
            pl.BlockSpec((NC, bm, DC), lambda i: (0, i, 0)),
            pl.BlockSpec((bm, 1), lambda i: (i, 0)),
        ],
        out_shape=[
            jax.ShapeDtypeStruct((NC, NP, DC), jnp.float32),
            jax.ShapeDtypeStruct((NP, 1), jnp.float32),
        ],
    )(x_pad, hist_t, gamma2, beta2)


def _sc_aggregate(rows2d, cols2d, hs2):

    @functools.partial(
        pl.kernel,
        out_type=jax.ShapeDtypeStruct((NC, NP, DC), jnp.float32),
        mesh=_sc_mesh(),
        compiler_params=_CP,
        scratch_types=[
            pltpu.VMEM((BP, G), jnp.int32),
            pltpu.VMEM((BP, G), jnp.int32),
            pltpu.VMEM((2, G, DC), jnp.float32),
            pltpu.VMEM_SHARED((NP, DC), jnp.float32),
            pltpu.SemaphoreType.DMA,
            pltpu.SemaphoreType.DMA,
        ],
    )
    def agg_kernel(rows_hbm, cols_hbm, hs_hbm, out_hbm,
                   erow, ecol, buf, acc, gsem, ssem):
        c = lax.axis_index("c")
        s = lax.axis_index("s")

        pltpu.sync_copy(hs_hbm.at[c].at[pl.ds(s * ZR, ZR)],
                        acc.at[pl.ds(s * ZR, ZR)])
        plsc.subcore_barrier()

        for ph in range(BA // BP):
            pltpu.sync_copy(rows_hbm.at[pl.ds(s * BA + ph * BP, BP)], erow)
            pltpu.sync_copy(cols_hbm.at[pl.ds(s * BA + ph * BP, BP)], ecol)

            pltpu.async_copy(hs_hbm.at[c].at[ecol.at[0]], buf.at[0], gsem)

            @pl.loop(0, BP)
            def _(j):
                b = lax.rem(j, 2)
                nb = 1 - b

                @pl.when(j >= 1)
                def _():
                    pltpu.make_async_copy(
                        buf.at[nb], acc.at[erow.at[j - 1]], ssem).wait()

                @pl.when(j + 1 < BP)
                def _():
                    pltpu.async_copy(
                        hs_hbm.at[c].at[ecol.at[j + 1]], buf.at[nb], gsem)

                pltpu.make_async_copy(
                    hs_hbm.at[c].at[ecol.at[j]], buf.at[b], gsem).wait()
                pltpu.async_copy(buf.at[b], acc.at[erow.at[j]], ssem, add=True)

            pltpu.make_async_copy(
                buf.at[(BP - 1) % 2], acc.at[erow.at[BP - 1]], ssem).wait()

        plsc.subcore_barrier()
        pltpu.sync_copy(acc.at[pl.ds(s * ZR, ZR)],
                        out_hbm.at[c].at[pl.ds(s * ZR, ZR)])

    return agg_kernel(rows2d, cols2d, hs2)


def _out_body(a_ref, dis_ref, w_ref, b_ref, o_ref):
    a = jnp.concatenate([a_ref[0], a_ref[1]], axis=1) * dis_ref[...]
    y = jnp.dot(a, w_ref[...], preferred_element_type=jnp.float32) + b_ref[...]
    o_ref[...] = y * 0.5 * (1.0 + lax.erf(y * (2.0 ** -0.5)))


def _tc_out(acc, dis, W, b2):
    bm = 400
    return pl.pallas_call(
        _out_body,
        grid=(N // bm,),
        in_specs=[
            pl.BlockSpec((NC, bm, DC), lambda i: (0, i, 0)),
            pl.BlockSpec((bm, 1), lambda i: (i, 0)),
            pl.BlockSpec((D, D), lambda i: (0, 0)),
            pl.BlockSpec((1, D), lambda i: (0, 0)),
        ],
        out_specs=pl.BlockSpec((bm, D), lambda i: (i, 0)),
        out_shape=jax.ShapeDtypeStruct((N, D), jnp.float32),
    )(acc, dis, W, b2)


def kernel(x, edge_index, W, b, ln_gamma, ln_beta):
    rows = jnp.concatenate(
        [edge_index[0], jnp.full((EP - E,), PAD_ROW, jnp.int32)])
    cols = jnp.concatenate(
        [edge_index[1], jnp.full((EP - E,), PAD_COL, jnp.int32)])
    rows2d = rows.reshape(NB, G)
    cols2d = cols.reshape(NB, G)
    x_pad = jnp.pad(x, ((0, NP - N), (0, 0)))

    hist = _sc_degree(rows.reshape(ND, GD))
    hs2, dis = _tc_norm_scale(x_pad, hist.T,
                              ln_gamma.reshape(1, D), ln_beta.reshape(1, D))
    acc = _sc_aggregate(rows2d, cols2d, hs2)
    return _tc_out(acc, dis, W, b.reshape(1, D))

# --- scband reference (transcript-rebuilt; emitter-appended) ---
"""Pipeline reference for scband-gcnblock-44470091383000 (READ-ONLY COPY).

The authoritative reference and input builder live on the scoring server;
editing this copy changes nothing except your own understanding.
"""

import jax, jax.numpy as jnp
import numpy as np

N = 10000
E = 160000
DIN = 256
DOUT = 256


def setup_inputs(seed: int = 0) -> dict:
    key = jax.random.key(seed)
    k1, k2, k3 = jax.random.split(key, 3)
    x = jax.random.normal(k1, (N, DIN), dtype=jnp.float32)
    edge_index = jax.random.randint(k2, (2, E), 0, N, dtype=jnp.int32)
    # xavier uniform for GCN weight
    limit = float(np.sqrt(6.0 / (DIN + DOUT)))
    W = jax.random.uniform(k3, (DIN, DOUT), dtype=jnp.float32, minval=-limit, maxval=limit)
    b = jnp.zeros((DOUT,), dtype=jnp.float32)
    ln_gamma = jnp.ones((DIN,), dtype=jnp.float32)
    ln_beta = jnp.zeros((DIN,), dtype=jnp.float32)
    return {"x": x, "edge_index": edge_index, "W": W, "b": b, "ln_gamma": ln_gamma, "ln_beta": ln_beta}


def _layernorm(x, gamma, beta, eps=1e-5):
    mu = jnp.mean(x, axis=-1, keepdims=True)
    var = jnp.var(x, axis=-1, keepdims=True)
    return (x - mu) / jnp.sqrt(var + eps) * gamma + beta


def reference(x, edge_index, W, b, ln_gamma, ln_beta):
    n = x.shape[0]
    # pre-norm LayerNorm
    h = _layernorm(x, ln_gamma, ln_beta)
    # build normalized adjacency with self loops (GCNGraph semantics)
    loops = jnp.arange(n, dtype=edge_index.dtype)
    row = jnp.concatenate([edge_index[0], loops])
    col = jnp.concatenate([edge_index[1], loops])
    vals = jnp.ones(row.shape[0], dtype=jnp.float32)
    deg = jax.ops.segment_sum(vals, row, num_segments=n)
    deg_inv_sqrt = deg ** -0.5
    nv = deg_inv_sqrt[row] * vals * deg_inv_sqrt[col]
    # sparse mm: out[row] += nv * h[col]  (gather + scatter-add)
    agg = jax.ops.segment_sum(nv[:, None] * h[col], row, num_segments=n)
    out = agg @ W + b
    out = jax.nn.gelu(out, approximate=False)
    # dropout p=0 -> identity; residuals=False; pre_norm=True -> no post norm
    return out

if __name__ == "__main__":
    import jax
    _d = setup_inputs()
    print(jax.jit(kernel)(*tuple(_d.values())))

</pallas_src>

<mosaic_0001>
#map = affine_map<(d0, d1) -> (0, 0)>
module attributes {stable_mosaic.version = 14 : i64} {
  func.func @deg_kernel(%arg0: i32, %arg1: i32, %arg2: memref<1280x128xi32, #tpu.memory_space<hbm>>, %arg3: memref<2x10240xf32, #tpu.memory_space<hbm>>, %arg4: memref<40x128xi32, #tpu.memory_space<vmem>>, %arg5: memref<128xf32, #tpu.memory_space<vmem>>, %arg6: memref<640xf32, #tpu.memory_space<vmem>>, %arg7: memref<10240xf32, #tpu.memory_space<vmem_shared>>) attributes {dimension_semantics = [#tpu.dimension_semantics<core_parallel>, #tpu.dimension_semantics<subcore_parallel>], iteration_bounds = array<i64: 2, 16>, scalar_prefetch = 0 : i64, scratch_operands = 4 : i64, tpu.core_type = #tpu.core_type<sc_vector_subcore>, window_params = [{transform_indices = #map}, {transform_indices = #map}]} {
    %broadcast_in_dim3A = arith.constant 1.000000e+00 : f32
    %broadcast_in_dim3A_0 = vector.broadcast %broadcast_in_dim3A : f32 to vector<16xf32>
    %broadcast_in_dim3A_1 = arith.constant 0.000000e+00 : f32
    %broadcast_in_dim3A_2 = vector.broadcast %broadcast_in_dim3A_1 : f32 to vector<16xf32>
    %scan3A = arith.constant 0 : i32
    %scan3A_3 = arith.constant 8 : i32
    %scan3A_4 = arith.addi %scan3A, %scan3A_3 : i32
    %scan3A_5 = arith.constant 1 : i32
    scf.for %scan3A_27 = %scan3A to %scan3A_4 step %scan3A_5  : i32 {
      %mul3A_28 = arith.constant 1 : i32
      %mul3A_29 = arith.muli %scan3A_27, %mul3A_28 : i32
      %add3A_30 = arith.constant 0 : i32
      %add3A_31 = arith.addi %add3A_30, %mul3A_29 : i32
      %mul3A_32 = arith.constant 16 : i32
      %mul3A_33 = arith.muli %add3A_31, %mul3A_32 : i32
      %swap3A = arith.index_cast %mul3A_33 : i32 to index
      %swap3A_34 = tpu.vector_load %arg5[%swap3A] {strides = array<i32>} : memref<128xf32, #tpu.memory_space<vmem>>, vector<16xf32>,
      tpu.vector_store %arg5[%swap3A], %broadcast_in_dim3A_0 {strides = array<i32>} : memref<128xf32, #tpu.memory_space<vmem>>, vector<16xf32>,
    }
    %scan3A_6 = arith.constant 8 : i32
    %scan3A_7 = arith.constant 0 : i32
    %scan3A_8 = arith.constant 40 : i32
    %scan3A_9 = arith.addi %scan3A_7, %scan3A_8 : i32
    %scan3A_10 = arith.constant 1 : i32
    scf.for %scan3A_27 = %scan3A_7 to %scan3A_9 step %scan3A_10  : i32 {
      %mul3A_28 = arith.constant 1 : i32
      %mul3A_29 = arith.muli %scan3A_27, %mul3A_28 : i32
      %add3A_30 = arith.constant 0 : i32
      %add3A_31 = arith.addi %add3A_30, %mul3A_29 : i32
      %mul3A_32 = arith.constant 16 : i32
      %mul3A_33 = arith.muli %add3A_31, %mul3A_32 : i32
      %swap3A = arith.index_cast %mul3A_33 : i32 to index
      %swap3A_34 = tpu.vector_load %arg6[%swap3A] {strides = array<i32>} : memref<640xf32, #tpu.memory_space<vmem>>, vector<16xf32>,
      tpu.vector_store %arg6[%swap3A], %broadcast_in_dim3A_2 {strides = array<i32>} : memref<640xf32, #tpu.memory_space<vmem>>, vector<16xf32>,
    }
    %scan3A_11 = arith.constant 40 : i32
    %mul3A = arith.constant 16 : i32
    %mul3A_12 = arith.muli %arg0, %mul3A : i32
    %add3A = arith.addi %mul3A_12, %arg1 : i32
    %mul3A_13 = arith.constant 40 : i32
    %mul3A_14 = arith.muli %add3A, %mul3A_13 : i32
    "tpu.region"() ({
      %run_scoped3A = tpu.sem_alloc : memref<!tpu.dma_semaphore, #tpu.memory_space<semaphore_mem>>
      %dma_start3A = arith.constant 0 : i32
      %dma_start3A_27 = tpu.memref_slice %arg2[%mul3A_14, %dma_start3A] : memref<1280x128xi32, #tpu.memory_space<hbm>> -> memref<40x128xi32, #tpu.memory_space<hbm>>
      %dma_start3A_28 = arith.constant 0 : i32
      %dma_start3A_29 = tpu.memref_slice %arg2[%mul3A_14, %dma_start3A_28] : memref<1280x128xi32, #tpu.memory_space<hbm>> -> memref<40x128xi32, #tpu.memory_space<hbm>>
      tpu.enqueue_dma source(%dma_start3A_29 : memref<40x128xi32, #tpu.memory_space<hbm>>) target(%arg4 : memref<40x128xi32, #tpu.memory_space<vmem>>) target_semaphore(%run_scoped3A : memref<!tpu.dma_semaphore, #tpu.memory_space<semaphore_mem>>)
      %dma_wait3A = arith.constant 0 : i32
      %dma_wait3A_30 = tpu.memref_slice %arg2[%mul3A_14, %dma_wait3A] : memref<1280x128xi32, #tpu.memory_space<hbm>> -> memref<40x128xi32, #tpu.memory_space<hbm>>
      %dma_wait3A_31 = arith.constant 0 : i32
      %dma_wait3A_32 = tpu.memref_slice %arg2[%mul3A_14, %dma_wait3A_31] : memref<1280x128xi32, #tpu.memory_space<hbm>> -> memref<40x128xi32, #tpu.memory_space<hbm>>
      tpu.wait_dma2 semaphore(%run_scoped3A : memref<!tpu.dma_semaphore, #tpu.memory_space<semaphore_mem>>) src(%dma_wait3A_32 : memref<40x128xi32, #tpu.memory_space<hbm>>) dst(%arg4 : memref<40x128xi32, #tpu.memory_space<vmem>>)
      tpu.yield
    }) : () -> ()
    %mul3A_15 = arith.constant 640 : i32
    %mul3A_16 = arith.muli %arg1, %mul3A_15 : i32
    "tpu.region"() ({
      %run_scoped3A = tpu.sem_alloc : memref<!tpu.dma_semaphore, #tpu.memory_space<semaphore_mem>>
      %dma_start3A = tpu.memref_slice %arg7[%mul3A_16] : memref<10240xf32, #tpu.memory_space<vmem_shared>> -> memref<640xf32, #tpu.memory_space<vmem_shared>>
      %dma_start3A_27 = tpu.memref_slice %arg7[%mul3A_16] : memref<10240xf32, #tpu.memory_space<vmem_shared>> -> memref<640xf32, #tpu.memory_space<vmem_shared>>
      tpu.enqueue_dma source(%arg6 : memref<640xf32, #tpu.memory_space<vmem>>) target(%dma_start3A_27 : memref<640xf32, #tpu.memory_space<vmem_shared>>) target_semaphore(%run_scoped3A : memref<!tpu.dma_semaphore, #tpu.memory_space<semaphore_mem>>)
      %dma_wait3A = tpu.memref_slice %arg7[%mul3A_16] : memref<10240xf32, #tpu.memory_space<vmem_shared>> -> memref<640xf32, #tpu.memory_space<vmem_shared>>
      %dma_wait3A_28 = tpu.memref_slice %arg7[%mul3A_16] : memref<10240xf32, #tpu.memory_space<vmem_shared>> -> memref<640xf32, #tpu.memory_space<vmem_shared>>
      tpu.wait_dma2 semaphore(%run_scoped3A : memref<!tpu.dma_semaphore, #tpu.memory_space<semaphore_mem>>) src(%arg6 : memref<640xf32, #tpu.memory_space<vmem>>) dst(%dma_wait3A_28 : memref<640xf32, #tpu.memory_space<vmem_shared>>)
      tpu.yield
    }) : () -> ()
    %barrier3A = arith.constant 0 : index
    tpu.barrier barrier_id(%barrier3A)
    %scan3A_17 = arith.constant 0 : i32
    %scan3A_18 = arith.constant 40 : i32
    %scan3A_19 = arith.addi %scan3A_17, %scan3A_18 : i32
    %scan3A_20 = arith.constant 1 : i32
    scf.for %scan3A_27 = %scan3A_17 to %scan3A_19 step %scan3A_20  : i32 {
      %mul3A_28 = arith.constant 1 : i32
      %mul3A_29 = arith.muli %scan3A_27, %mul3A_28 : i32
      %add3A_30 = arith.constant 0 : i32
      %add3A_31 = arith.addi %add3A_30, %mul3A_29 : i32
      "tpu.region"() ({
        %run_scoped3A = tpu.sem_alloc : memref<!tpu.dma_semaphore, #tpu.memory_space<semaphore_mem>>
        %dma_start3A = arith.constant 0 : i32
        %dma_start3A_32 = tpu.memref_slice %arg4[%add3A_31, %dma_start3A] : memref<40x128xi32, #tpu.memory_space<vmem>> -> memref<1x128xi32, #tpu.memory_space<vmem>>
        %dma_start3A_33 = tpu.memref_squeeze %dma_start3A_32 : memref<1x128xi32, #tpu.memory_space<vmem>> -> memref<128xi32, #tpu.memory_space<vmem>>
        %dma_start3A_34 = arith.constant 0 : i32
        %dma_start3A_35 = tpu.memref_slice %arg7[%dma_start3A_34] : memref<10240xf32, #tpu.memory_space<vmem_shared>> -> memref<10240xf32, #tpu.memory_space<vmem_shared>>
        tpu.enqueue_indirect_dma source(%arg5 : memref<128xf32, #tpu.memory_space<vmem>>) target(%dma_start3A_35 : memref<10240xf32, #tpu.memory_space<vmem_shared>>) offsets(%dma_start3A_33 : memref<128xi32, #tpu.memory_space<vmem>>) semaphore(%run_scoped3A : memref<!tpu.dma_semaphore, #tpu.memory_space<semaphore_mem>>) {add = true}
        %dma_wait3A = arith.constant 0 : i32
        %dma_wait3A_36 = tpu.memref_slice %arg4[%add3A_31, %dma_wait3A] : memref<40x128xi32, #tpu.memory_space<vmem>> -> memref<1x128xi32, #tpu.memory_space<vmem>>
        %dma_wait3A_37 = tpu.memref_squeeze %dma_wait3A_36 : memref<1x128xi32, #tpu.memory_space<vmem>> -> memref<128xi32, #tpu.memory_space<vmem>>
        %dma_wait3A_38 = arith.constant 0 : i32
        %dma_wait3A_39 = tpu.memref_slice %arg7[%dma_wait3A_38] : memref<10240xf32, #tpu.memory_space<vmem_shared>> -> memref<10240xf32, #tpu.memory_space<vmem_shared>>
        tpu.wait_indirect_dma semaphore(%run_scoped3A : memref<!tpu.dma_semaphore, #tpu.memory_space<semaphore_mem>>) src(%arg5 : memref<128xf32, #tpu.memory_space<vmem>>) dst(%dma_wait3A_39 : memref<10240xf32, #tpu.memory_space<vmem_shared>>)
        tpu.yield
      }) : () -> ()
    }
    %scan3A_21 = arith.constant 40 : i32
    %barrier3A_22 = arith.constant 0 : index
    tpu.barrier barrier_id(%barrier3A_22)
    %mul3A_23 = arith.constant 640 : i32
    %mul3A_24 = arith.muli %arg1, %mul3A_23 : i32
    %mul3A_25 = arith.constant 640 : i32
    %mul3A_26 = arith.muli %arg1, %mul3A_25 : i32
    "tpu.region"() ({
      %run_scoped3A = tpu.sem_alloc : memref<!tpu.dma_semaphore, #tpu.memory_space<semaphore_mem>>
      %dma_start3A = arith.constant 0 : i32
      %dma_start3A_27 = tpu.memref_slice %arg3[%arg0, %dma_start3A] : memref<2x10240xf32, #tpu.memory_space<hbm>> -> memref<1x10240xf32, #tpu.memory_space<hbm>>
      %dma_start3A_28 = tpu.memref_squeeze %dma_start3A_27 : memref<1x10240xf32, #tpu.memory_space<hbm>> -> memref<10240xf32, #tpu.memory_space<hbm>>
      %dma_start3A_29 = tpu.memref_slice %dma_start3A_28[%mul3A_26] : memref<10240xf32, #tpu.memory_space<hbm>> -> memref<640xf32, #tpu.memory_space<hbm>>
      %dma_start3A_30 = tpu.memref_slice %arg7[%mul3A_24] : memref<10240xf32, #tpu.memory_space<vmem_shared>> -> memref<640xf32, #tpu.memory_space<vmem_shared>>
      tpu.enqueue_dma source(%dma_start3A_30 : memref<640xf32, #tpu.memory_space<vmem_shared>>) target(%dma_start3A_29 : memref<640xf32, #tpu.memory_space<hbm>>) target_semaphore(%run_scoped3A : memref<!tpu.dma_semaphore, #tpu.memory_space<semaphore_mem>>)
      %dma_wait3A = arith.constant 0 : i32
      %dma_wait3A_31 = tpu.memref_slice %arg3[%arg0, %dma_wait3A] : memref<2x10240xf32, #tpu.memory_space<hbm>> -> memref<1x10240xf32, #tpu.memory_space<hbm>>
      %dma_wait3A_32 = tpu.memref_squeeze %dma_wait3A_31 : memref<1x10240xf32, #tpu.memory_space<hbm>> -> memref<10240xf32, #tpu.memory_space<hbm>>
      %dma_wait3A_33 = tpu.memref_slice %dma_wait3A_32[%mul3A_26] : memref<10240xf32, #tpu.memory_space<hbm>> -> memref<640xf32, #tpu.memory_space<hbm>>
      %dma_wait3A_34 = tpu.memref_slice %arg7[%mul3A_24] : memref<10240xf32, #tpu.memory_space<vmem_shared>> -> memref<640xf32, #tpu.memory_space<vmem_shared>>
      tpu.wait_dma2 semaphore(%run_scoped3A : memref<!tpu.dma_semaphore, #tpu.memory_space<semaphore_mem>>) src(%dma_wait3A_34 : memref<640xf32, #tpu.memory_space<vmem_shared>>) dst(%dma_wait3A_33 : memref<640xf32, #tpu.memory_space<hbm>>)
      tpu.yield
    }) : () -> ()
    return
  }
}

#map = affine_map<(d0, d1) -> (0, 0)>
#map1 = affine_map<(d0, d1) -> (0, 0, 0)>
module attributes {stable_mosaic.version = 14 : i64} {
  func.func @agg_kernel(%arg0: i32, %arg1: i32, %arg2: memref<1280x128xi32, #tpu.memory_space<hbm>>, %arg3: memref<1280x128xi32, #tpu.memory_space<hbm>>, %arg4: memref<2x10240x128xf32, #tpu.memory_space<hbm>>, %arg5: memref<2x10240x128xf32, #tpu.memory_space<hbm>>, %arg6: memref<40x128xi32, #tpu.memory_space<vmem>>, %arg7: memref<40x128xi32, #tpu.memory_space<vmem>>, %arg8: memref<2x128x128xf32, #tpu.memory_space<vmem>>, %arg9: memref<10240x128xf32, #tpu.memory_space<vmem_shared>>, %arg10: memref<!tpu.dma_semaphore, #tpu.memory_space<semaphore_mem>>, %arg11: memref<!tpu.dma_semaphore, #tpu.memory_space<semaphore_mem>>) attributes {dimension_semantics = [#tpu.dimension_semantics<core_parallel>, #tpu.dimension_semantics<subcore_parallel>], iteration_bounds = array<i64: 2, 16>, scalar_prefetch = 0 : i64, scratch_operands = 6 : i64, tpu.core_type = #tpu.core_type<sc_vector_subcore>, window_params = [{transform_indices = #map}, {transform_indices = #map}, {transform_indices = #map1}, {transform_indices = #map1}]} {
    %mul3A = arith.constant 640 : i32
    %mul3A_0 = arith.muli %arg1, %mul3A : i32
    %mul3A_1 = arith.constant 640 : i32
    %mul3A_2 = arith.muli %arg1, %mul3A_1 : i32
    "tpu.region"() ({
      %run_scoped3A = tpu.sem_alloc : memref<!tpu.dma_semaphore, #tpu.memory_space<semaphore_mem>>
      %dma_start3A_86 = arith.constant 0 : i32
      %dma_start3A_87 = tpu.memref_slice %arg9[%mul3A_2, %dma_start3A_86] : memref<10240x128xf32, #tpu.memory_space<vmem_shared>> -> memref<640x128xf32, #tpu.memory_space<vmem_shared>>
      %dma_start3A_88 = arith.constant 0 : i32
      %dma_start3A_89 = arith.constant 0 : i32
      %dma_start3A_90 = tpu.memref_slice %arg4[%arg0, %dma_start3A_88, %dma_start3A_89] : memref<2x10240x128xf32, #tpu.memory_space<hbm>> -> memref<1x10240x128xf32, #tpu.memory_space<hbm>>
      %dma_start3A_91 = tpu.memref_squeeze %dma_start3A_90 : memref<1x10240x128xf32, #tpu.memory_space<hbm>> -> memref<10240x128xf32, #tpu.memory_space<hbm>>
      %dma_start3A_92 = arith.constant 0 : i32
      %dma_start3A_93 = tpu.memref_slice %dma_start3A_91[%mul3A_0, %dma_start3A_92] : memref<10240x128xf32, #tpu.memory_space<hbm>> -> memref<640x128xf32, #tpu.memory_space<hbm>>
      tpu.enqueue_dma source(%dma_start3A_93 : memref<640x128xf32, #tpu.memory_space<hbm>>) target(%dma_start3A_87 : memref<640x128xf32, #tpu.memory_space<vmem_shared>>) target_semaphore(%run_scoped3A : memref<!tpu.dma_semaphore, #tpu.memory_space<semaphore_mem>>)
      %dma_wait3A_94 = arith.constant 0 : i32
      %dma_wait3A_95 = tpu.memref_slice %arg9[%mul3A_2, %dma_wait3A_94] : memref<10240x128xf32, #tpu.memory_space<vmem_shared>> -> memref<640x128xf32, #tpu.memory_space<vmem_shared>>
      %dma_wait3A_96 = arith.constant 0 : i32
      %dma_wait3A_97 = arith.constant 0 : i32
      %dma_wait3A_98 = tpu.memref_slice %arg4[%arg0, %dma_wait3A_96, %dma_wait3A_97] : memref<2x10240x128xf32, #tpu.memory_space<hbm>> -> memref<1x10240x128xf32, #tpu.memory_space<hbm>>
      %dma_wait3A_99 = tpu.memref_squeeze %dma_wait3A_98 : memref<1x10240x128xf32, #tpu.memory_space<hbm>> -> memref<10240x128xf32, #tpu.memory_space<hbm>>
      %dma_wait3A_100 = arith.constant 0 : i32
      %dma_wait3A_101 = tpu.memref_slice %dma_wait3A_99[%mul3A_0, %dma_wait3A_100] : memref<10240x128xf32, #tpu.memory_space<hbm>> -> memref<640x128xf32, #tpu.memory_space<hbm>>
      tpu.wait_dma2 semaphore(%run_scoped3A : memref<!tpu.dma_semaphore, #tpu.memory_space<semaphore_mem>>) src(%dma_wait3A_101 : memref<640x128xf32, #tpu.memory_space<hbm>>) dst(%dma_wait3A_95 : memref<640x128xf32, #tpu.memory_space<vmem_shared>>)
      tpu.yield
    }) : () -> ()
    %barrier3A = arith.constant 0 : index
    tpu.barrier barrier_id(%barrier3A)
    %mul3A_3 = arith.constant 80 : i32
    %mul3A_4 = arith.muli %arg1, %mul3A_3 : i32
    %add3A = arith.constant 0 : i32
    %add3A_5 = arith.addi %mul3A_4, %add3A : i32
    "tpu.region"() ({
      %run_scoped3A = tpu.sem_alloc : memref<!tpu.dma_semaphore, #tpu.memory_space<semaphore_mem>>
      %dma_start3A_86 = arith.constant 0 : i32
      %dma_start3A_87 = tpu.memref_slice %arg2[%add3A_5, %dma_start3A_86] : memref<1280x128xi32, #tpu.memory_space<hbm>> -> memref<40x128xi32, #tpu.memory_space<hbm>>
      %dma_start3A_88 = arith.constant 0 : i32
      %dma_start3A_89 = tpu.memref_slice %arg2[%add3A_5, %dma_start3A_88] : memref<1280x128xi32, #tpu.memory_space<hbm>> -> memref<40x128xi32, #tpu.memory_space<hbm>>
      tpu.enqueue_dma source(%dma_start3A_89 : memref<40x128xi32, #tpu.memory_space<hbm>>) target(%arg6 : memref<40x128xi32, #tpu.memory_space<vmem>>) target_semaphore(%run_scoped3A : memref<!tpu.dma_semaphore, #tpu.memory_space<semaphore_mem>>)
      %dma_wait3A_90 = arith.constant 0 : i32
      %dma_wait3A_91 = tpu.memref_slice %arg2[%add3A_5, %dma_wait3A_90] : memref<1280x128xi32, #tpu.memory_space<hbm>> -> memref<40x128xi32, #tpu.memory_space<hbm>>
      %dma_wait3A_92 = arith.constant 0 : i32
      %dma_wait3A_93 = tpu.memref_slice %arg2[%add3A_5, %dma_wait3A_92] : memref<1280x128xi32, #tpu.memory_space<hbm>> -> memref<40x128xi32, #tpu.memory_space<hbm>>
      tpu.wait_dma2 semaphore(%run_scoped3A : memref<!tpu.dma_semaphore, #tpu.memory_space<semaphore_mem>>) src(%dma_wait3A_93 : memref<40x128xi32, #tpu.memory_space<hbm>>) dst(%arg6 : memref<40x128xi32, #tpu.memory_space<vmem>>)
      tpu.yield
    }) : () -> ()
    %mul3A_6 = arith.constant 80 : i32
    %mul3A_7 = arith.muli %arg1, %mul3A_6 : i32
    %add3A_8 = arith.constant 0 : i32
    %add3A_9 = arith.addi %mul3A_7, %add3A_8 : i32
    "tpu.region"() ({
      %run_scoped3A = tpu.sem_alloc : memref<!tpu.dma_semaphore, #tpu.memory_space<semaphore_mem>>
      %dma_start3A_86 = arith.constant 0 : i32
      %dma_start3A_87 = tpu.memref_slice %arg3[%add3A_9, %dma_start3A_86] : memref<1280x128xi32, #tpu.memory_space<hbm>> -> memref<40x128xi32, #tpu.memory_space<hbm>>
      %dma_start3A_88 = arith.constant 0 : i32
      %dma_start3A_89 = tpu.memref_slice %arg3[%add3A_9, %dma_start3A_88] : memref<1280x128xi32, #tpu.memory_space<hbm>> -> memref<40x128xi32, #tpu.memory_space<hbm>>
      tpu.enqueue_dma source(%dma_start3A_89 : memref<40x128xi32, #tpu.memory_space<hbm>>) target(%arg7 : memref<40x128xi32, #tpu.memory_space<vmem>>) target_semaphore(%run_scoped3A : memref<!tpu.dma_semaphore, #tpu.memory_space<semaphore_mem>>)
      %dma_wait3A_90 = arith.constant 0 : i32
      %dma_wait3A_91 = tpu.memref_slice %arg3[%add3A_9, %dma_wait3A_90] : memref<1280x128xi32, #tpu.memory_space<hbm>> -> memref<40x128xi32, #tpu.memory_space<hbm>>
      %dma_wait3A_92 = arith.constant 0 : i32
      %dma_wait3A_93 = tpu.memref_slice %arg3[%add3A_9, %dma_wait3A_92] : memref<1280x128xi32, #tpu.memory_space<hbm>> -> memref<40x128xi32, #tpu.memory_space<hbm>>
      tpu.wait_dma2 semaphore(%run_scoped3A : memref<!tpu.dma_semaphore, #tpu.memory_space<semaphore_mem>>) src(%dma_wait3A_93 : memref<40x128xi32, #tpu.memory_space<hbm>>) dst(%arg7 : memref<40x128xi32, #tpu.memory_space<vmem>>)
      tpu.yield
    }) : () -> ()
    %dma_start3A = arith.constant 0 : i32
    %dma_start3A_10 = arith.constant 0 : i32
    %dma_start3A_11 = arith.constant 0 : i32
    %dma_start3A_12 = arith.constant 0 : i32
    %dma_start3A_13 = tpu.memref_slice %arg8[%dma_start3A_10, %dma_start3A_11, %dma_start3A_12] : memref<2x128x128xf32, #tpu.memory_space<vmem>> -> memref<1x128x128xf32, #tpu.memory_space<vmem>>
    %dma_start3A_14 = tpu.memref_squeeze %dma_start3A_13 : memref<1x128x128xf32, #tpu.memory_space<vmem>> -> memref<128x128xf32, #tpu.memory_space<vmem>>
    %dma_start3A_15 = arith.constant 0 : i32
    %dma_start3A_16 = tpu.memref_slice %arg7[%dma_start3A, %dma_start3A_15] : memref<40x128xi32, #tpu.memory_space<vmem>> -> memref<1x128xi32, #tpu.memory_space<vmem>>
    %dma_start3A_17 = tpu.memref_squeeze %dma_start3A_16 : memref<1x128xi32, #tpu.memory_space<vmem>> -> memref<128xi32, #tpu.memory_space<vmem>>
    %dma_start3A_18 = arith.constant 0 : i32
    %dma_start3A_19 = arith.constant 0 : i32
    %dma_start3A_20 = tpu.memref_slice %arg4[%arg0, %dma_start3A_18, %dma_start3A_19] : memref<2x10240x128xf32, #tpu.memory_space<hbm>> -> memref<1x10240x128xf32, #tpu.memory_space<hbm>>
    %dma_start3A_21 = tpu.memref_squeeze %dma_start3A_20 : memref<1x10240x128xf32, #tpu.memory_space<hbm>> -> memref<10240x128xf32, #tpu.memory_space<hbm>>
    %dma_start3A_22 = arith.constant 0 : i32
    %dma_start3A_23 = arith.constant 0 : i32
    %dma_start3A_24 = tpu.memref_slice %dma_start3A_21[%dma_start3A_22, %dma_start3A_23] : memref<10240x128xf32, #tpu.memory_space<hbm>> -> memref<10240x128xf32, #tpu.memory_space<hbm>>
    tpu.enqueue_indirect_dma source(%dma_start3A_24 : memref<10240x128xf32, #tpu.memory_space<hbm>>) target(%dma_start3A_14 : memref<128x128xf32, #tpu.memory_space<vmem>>) offsets(%dma_start3A_17 : memref<128xi32, #tpu.memory_space<vmem>>) semaphore(%arg10 : memref<!tpu.dma_semaphore, #tpu.memory_space<semaphore_mem>>)
    %scan3A = arith.constant 0 : i32
    %scan3A_25 = arith.constant 40 : i32
    %scan3A_26 = arith.addi %scan3A, %scan3A_25 : i32
    %scan3A_27 = arith.constant 1 : i32
    scf.for %scan3A_86 = %scan3A to %scan3A_26 step %scan3A_27  : i32 {
      %mul3A_87 = arith.constant 1 : i32
      %mul3A_88 = arith.muli %scan3A_86, %mul3A_87 : i32
      %add3A_89 = arith.constant 0 : i32
      %add3A_90 = arith.addi %add3A_89, %mul3A_88 : i32
      %rem3A = arith.constant 2 : i32
      %rem3A_91 = arith.remsi %add3A_90, %rem3A : i32
      %sub3A = arith.constant 1 : i32
      %sub3A_92 = arith.subi %sub3A, %rem3A_91 : i32
      %ge3A = arith.constant 1 : i32
      %ge3A_93 = arith.cmpi sge, %add3A_90, %ge3A : i32
      %convert_element_type3A = arith.extui %ge3A_93 : i1 to i32
      %cond3A = arith.constant 0 : i32
      %cond3A_94 = arith.cmpi ne, %convert_element_type3A, %cond3A : i32
      scf.if %cond3A_94 {
        %sub3A_125 = arith.constant 1 : i32
        %sub3A_126 = arith.subi %add3A_90, %sub3A_125 : i32
        %dma_wait3A_127 = arith.constant 0 : i32
        %dma_wait3A_128 = arith.constant 0 : i32
        %dma_wait3A_129 = tpu.memref_slice %arg8[%sub3A_92, %dma_wait3A_127, %dma_wait3A_128] : memref<2x128x128xf32, #tpu.memory_space<vmem>> -> memref<1x128x128xf32, #tpu.memory_space<vmem>>
        %dma_wait3A_130 = tpu.memref_squeeze %dma_wait3A_129 : memref<1x128x128xf32, #tpu.memory_space<vmem>> -> memref<128x128xf32, #tpu.memory_space<vmem>>
        %dma_wait3A_131 = arith.constant 0 : i32
        %dma_wait3A_132 = tpu.memref_slice %arg6[%sub3A_126, %dma_wait3A_131] : memref<40x128xi32, #tpu.memory_space<vmem>> -> memref<1x128xi32, #tpu.memory_space<vmem>>
        %dma_wait3A_133 = tpu.memref_squeeze %dma_wait3A_132 : memref<1x128xi32, #tpu.memory_space<vmem>> -> memref<128xi32, #tpu.memory_space<vmem>>
        %dma_wait3A_134 = arith.constant 0 : i32
        %dma_wait3A_135 = arith.constant 0 : i32
        %dma_wait3A_136 = tpu.memref_slice %arg9[%dma_wait3A_134, %dma_wait3A_135] : memref<10240x128xf32, #tpu.memory_space<vmem_shared>> -> memref<10240x128xf32, #tpu.memory_space<vmem_shared>>
        tpu.wait_indirect_dma semaphore(%arg11 : memref<!tpu.dma_semaphore, #tpu.memory_space<semaphore_mem>>) src(%dma_wait3A_130 : memref<128x128xf32, #tpu.memory_space<vmem>>) dst(%dma_wait3A_136 : memref<10240x128xf32, #tpu.memory_space<vmem_shared>>)
      } else {
      }
      %add3A_95 = arith.constant 1 : i32
      %add3A_96 = arith.addi %add3A_90, %add3A_95 : i32
      %lt3A = arith.constant 40 : i32
      %lt3A_97 = arith.cmpi slt, %add3A_96, %lt3A : i32
      %convert_element_type3A_98 = arith.extui %lt3A_97 : i1 to i32
      %cond3A_99 = arith.constant 0 : i32
      %cond3A_100 = arith.cmpi ne, %convert_element_type3A_98, %cond3A_99 : i32
      scf.if %cond3A_100 {
        %add3A_125 = arith.constant 1 : i32
        %add3A_126 = arith.addi %add3A_90, %add3A_125 : i32
        %dma_start3A_127 = arith.constant 0 : i32
        %dma_start3A_128 = arith.constant 0 : i32
        %dma_start3A_129 = tpu.memref_slice %arg8[%sub3A_92, %dma_start3A_127, %dma_start3A_128] : memref<2x128x128xf32, #tpu.memory_space<vmem>> -> memref<1x128x128xf32, #tpu.memory_space<vmem>>
        %dma_start3A_130 = tpu.memref_squeeze %dma_start3A_129 : memref<1x128x128xf32, #tpu.memory_space<vmem>> -> memref<128x128xf32, #tpu.memory_space<vmem>>
        %dma_start3A_131 = arith.constant 0 : i32
        %dma_start3A_132 = tpu.memref_slice %arg7[%add3A_126, %dma_start3A_131] : memref<40x128xi32, #tpu.memory_space<vmem>> -> memref<1x128xi32, #tpu.memory_space<vmem>>
        %dma_start3A_133 = tpu.memref_squeeze %dma_start3A_132 : memref<1x128xi32, #tpu.memory_space<vmem>> -> memref<128xi32, #tpu.memory_space<vmem>>
        %dma_start3A_134 = arith.constant 0 : i32
        %dma_start3A_135 = arith.constant 0 : i32
        %dma_start3A_136 = tpu.memref_slice %arg4[%arg0, %dma_start3A_134, %dma_start3A_135] : memref<2x10240x128xf32, #tpu.memory_space<hbm>> -> memref<1x10240x128xf32, #tpu.memory_space<hbm>>
        %dma_start3A_137 = tpu.memref_squeeze %dma_start3A_136 : memref<1x10240x128xf32, #tpu.memory_space<hbm>> -> memref<10240x128xf32, #tpu.memory_space<hbm>>
        %dma_start3A_138 = arith.constant 0 : i32
        %dma_start3A_139 = arith.constant 0 : i32
        %dma_start3A_140 = tpu.memref_slice %dma_start3A_137[%dma_start3A_138, %dma_start3A_139] : memref<10240x128xf32, #tpu.memory_space<hbm>> -> memref<10240x128xf32, #tpu.memory_space<hbm>>
        tpu.enqueue_indirect_dma source(%dma_start3A_140 : memref<10240x128xf32, #tpu.memory_space<hbm>>) target(%dma_start3A_130 : memref<128x128xf32, #tpu.memory_space<vmem>>) offsets(%dma_start3A_133 : memref<128xi32, #tpu.memory_space<vmem>>) semaphore(%arg10 : memref<!tpu.dma_semaphore, #tpu.memory_space<semaphore_mem>>)
      } else {
      }
      %dma_wait3A_101 = arith.constant 0 : i32
      %dma_wait3A_102 = arith.constant 0 : i32
      %dma_wait3A_103 = tpu.memref_slice %arg8[%rem3A_91, %dma_wait3A_101, %dma_wait3A_102] : memref<2x128x128xf32, #tpu.memory_space<vmem>> -> memref<1x128x128xf32, #tpu.memory_space<vmem>>
      %dma_wait3A_104 = tpu.memref_squeeze %dma_wait3A_103 : memref<1x128x128xf32, #tpu.memory_space<vmem>> -> memref<128x128xf32, #tpu.memory_space<vmem>>
      %dma_wait3A_105 = arith.constant 0 : i32
      %dma_wait3A_106 = tpu.memref_slice %arg7[%add3A_90, %dma_wait3A_105] : memref<40x128xi32, #tpu.memory_space<vmem>> -> memref<1x128xi32, #tpu.memory_space<vmem>>
      %dma_wait3A_107 = tpu.memref_squeeze %dma_wait3A_106 : memref<1x128xi32, #tpu.memory_space<vmem>> -> memref<128xi32, #tpu.memory_space<vmem>>
      %dma_wait3A_108 = arith.constant 0 : i32
      %dma_wait3A_109 = arith.constant 0 : i32
      %dma_wait3A_110 = tpu.memref_slice %arg4[%arg0, %dma_wait3A_108, %dma_wait3A_109] : memref<2x10240x128xf32, #tpu.memory_space<hbm>> -> memref<1x10240x128xf32, #tpu.memory_space<hbm>>
      %dma_wait3A_111 = tpu.memref_squeeze %dma_wait3A_110 : memref<1x10240x128xf32, #tpu.memory_space<hbm>> -> memref<10240x128xf32, #tpu.memory_space<hbm>>
      %dma_wait3A_112 = arith.constant 0 : i32
      %dma_wait3A_113 = arith.constant 0 : i32
      %dma_wait3A_114 = tpu.memref_slice %dma_wait3A_111[%dma_wait3A_112, %dma_wait3A_113] : memref<10240x128xf32, #tpu.memory_space<hbm>> -> memref<10240x128xf32, #tpu.memory_space<hbm>>
      tpu.wait_indirect_dma semaphore(%arg10 : memref<!tpu.dma_semaphore, #tpu.memory_space<semaphore_mem>>) src(%dma_wait3A_114 : memref<10240x128xf32, #tpu.memory_space<hbm>>) dst(%dma_wait3A_104 : memref<128x128xf32, #tpu.memory_space<vmem>>)
      %dma_start3A_115 = arith.constant 0 : i32
      %dma_start3A_116 = arith.constant 0 : i32
      %dma_start3A_117 = tpu.memref_slice %arg8[%rem3A_91, %dma_start3A_115, %dma_start3A_116] : memref<2x128x128xf32, #tpu.memory_space<vmem>> -> memref<1x128x128xf32, #tpu.memory_space<vmem>>
      %dma_start3A_118 = tpu.memref_squeeze %dma_start3A_117 : memref<1x128x128xf32, #tpu.memory_space<vmem>> -> memref<128x128xf32, #tpu.memory_space<vmem>>
      %dma_start3A_119 = arith.constant 0 : i32
      %dma_start3A_120 = tpu.memref_slice %arg6[%add3A_90, %dma_start3A_119] : memref<40x128xi32, #tpu.memory_space<vmem>> -> memref<1x128xi32, #tpu.memory_space<vmem>>
      %dma_start3A_121 = tpu.memref_squeeze %dma_start3A_120 : memref<1x128xi32, #tpu.memory_space<vmem>> -> memref<128xi32, #tpu.memory_space<vmem>>
      %dma_start3A_122 = arith.constant 0 : i32
      %dma_start3A_123 = arith.constant 0 : i32
      %dma_start3A_124 = tpu.memref_slice %arg9[%dma_start3A_122, %dma_start3A_123] : memref<10240x128xf32, #tpu.memory_space<vmem_shared>> -> memref<10240x128xf32, #tpu.memory_space<vmem_shared>>
      tpu.enqueue_indirect_dma source(%dma_start3A_118 : memref<128x128xf32, #tpu.memory_space<vmem>>) target(%dma_start3A_124 : memref<10240x128xf32, #tpu.memory_space<vmem_shared>>) offsets(%dma_start3A_121 : memref<128xi32, #tpu.memory_space<vmem>>) semaphore(%arg11 : memref<!tpu.dma_semaphore, #tpu.memory_space<semaphore_mem>>) {add = true}
    }
    %scan3A_28 = arith.constant 40 : i32
    %dma_wait3A = arith.constant 1 : i32
    %dma_wait3A_29 = arith.constant 39 : i32
    %dma_wait3A_30 = arith.constant 0 : i32
    %dma_wait3A_31 = arith.constant 0 : i32
    %dma_wait3A_32 = tpu.memref_slice %arg8[%dma_wait3A, %dma_wait3A_30, %dma_wait3A_31] : memref<2x128x128xf32, #tpu.memory_space<vmem>> -> memref<1x128x128xf32, #tpu.memory_space<vmem>>
    %dma_wait3A_33 = tpu.memref_squeeze %dma_wait3A_32 : memref<1x128x128xf32, #tpu.memory_space<vmem>> -> memref<128x128xf32, #tpu.memory_space<vmem>>
    %dma_wait3A_34 = arith.constant 0 : i32
    %dma_wait3A_35 = tpu.memref_slice %arg6[%dma_wait3A_29, %dma_wait3A_34] : memref<40x128xi32, #tpu.memory_space<vmem>> -> memref<1x128xi32, #tpu.memory_space<vmem>>
    %dma_wait3A_36 = tpu.memref_squeeze %dma_wait3A_35 : memref<1x128xi32, #tpu.memory_space<vmem>> -> memref<128xi32, #tpu.memory_space<vmem>>
    %dma_wait3A_37 = arith.constant 0 : i32
    %dma_wait3A_38 = arith.constant 0 : i32
    %dma_wait3A_39 = tpu.memref_slice %arg9[%dma_wait3A_37, %dma_wait3A_38] : memref<10240x128xf32, #tpu.memory_space<vmem_shared>> -> memref<10240x128xf32, #tpu.memory_space<vmem_shared>>
    tpu.wait_indirect_dma semaphore(%arg11 : memref<!tpu.dma_semaphore, #tpu.memory_space<semaphore_mem>>) src(%dma_wait3A_33 : memref<128x128xf32, #tpu.memory_space<vmem>>) dst(%dma_wait3A_39 : memref<10240x128xf32, #tpu.memory_space<vmem_shared>>)
    %mul3A_40 = arith.constant 80 : i32
    %mul3A_41 = arith.muli %arg1, %mul3A_40 : i32
    %add3A_42 = arith.constant 40 : i32
    %add3A_43 = arith.addi %mul3A_41, %add3A_42 : i32
    "tpu.region"() ({
      %run_scoped3A = tpu.sem_alloc : memref<!tpu.dma_semaphore, #tpu.memory_space<semaphore_mem>>
      %dma_start3A_86 = arith.constant 0 : i32
      %dma_start3A_87 = tpu.memref_slice %arg2[%add3A_43, %dma_start3A_86] : memref<1280x128xi32, #tpu.memory_space<hbm>> -> memref<40x128xi32, #tpu.memory_space<hbm>>
      %dma_start3A_88 = arith.constant 0 : i32
      %dma_start3A_89 = tpu.memref_slice %arg2[%add3A_43, %dma_start3A_88] : memref<1280x128xi32, #tpu.memory_space<hbm>> -> memref<40x128xi32, #tpu.memory_space<hbm>>
      tpu.enqueue_dma source(%dma_start3A_89 : memref<40x128xi32, #tpu.memory_space<hbm>>) target(%arg6 : memref<40x128xi32, #tpu.memory_space<vmem>>) target_semaphore(%run_scoped3A : memref<!tpu.dma_semaphore, #tpu.memory_space<semaphore_mem>>)
      %dma_wait3A_90 = arith.constant 0 : i32
      %dma_wait3A_91 = tpu.memref_slice %arg2[%add3A_43, %dma_wait3A_90] : memref<1280x128xi32, #tpu.memory_space<hbm>> -> memref<40x128xi32, #tpu.memory_space<hbm>>
      %dma_wait3A_92 = arith.constant 0 : i32
      %dma_wait3A_93 = tpu.memref_slice %arg2[%add3A_43, %dma_wait3A_92] : memref<1280x128xi32, #tpu.memory_space<hbm>> -> memref<40x128xi32, #tpu.memory_space<hbm>>
      tpu.wait_dma2 semaphore(%run_scoped3A : memref<!tpu.dma_semaphore, #tpu.memory_space<semaphore_mem>>) src(%dma_wait3A_93 : memref<40x128xi32, #tpu.memory_space<hbm>>) dst(%arg6 : memref<40x128xi32, #tpu.memory_space<vmem>>)
      tpu.yield
    }) : () -> ()
    %mul3A_44 = arith.constant 80 : i32
    %mul3A_45 = arith.muli %arg1, %mul3A_44 : i32
    %add3A_46 = arith.constant 40 : i32
    %add3A_47 = arith.addi %mul3A_45, %add3A_46 : i32
    "tpu.region"() ({
      %run_scoped3A = tpu.sem_alloc : memref<!tpu.dma_semaphore, #tpu.memory_space<semaphore_mem>>
      %dma_start3A_86 = arith.constant 0 : i32
      %dma_start3A_87 = tpu.memref_slice %arg3[%add3A_47, %dma_start3A_86] : memref<1280x128xi32, #tpu.memory_space<hbm>> -> memref<40x128xi32, #tpu.memory_space<hbm>>
      %dma_start3A_88 = arith.constant 0 : i32
      %dma_start3A_89 = tpu.memref_slice %arg3[%add3A_47, %dma_start3A_88] : memref<1280x128xi32, #tpu.memory_space<hbm>> -> memref<40x128xi32, #tpu.memory_space<hbm>>
      tpu.enqueue_dma source(%dma_start3A_89 : memref<40x128xi32, #tpu.memory_space<hbm>>) target(%arg7 : memref<40x128xi32, #tpu.memory_space<vmem>>) target_semaphore(%run_scoped3A : memref<!tpu.dma_semaphore, #tpu.memory_space<semaphore_mem>>)
      %dma_wait3A_90 = arith.constant 0 : i32
      %dma_wait3A_91 = tpu.memref_slice %arg3[%add3A_47, %dma_wait3A_90] : memref<1280x128xi32, #tpu.memory_space<hbm>> -> memref<40x128xi32, #tpu.memory_space<hbm>>
      %dma_wait3A_92 = arith.constant 0 : i32
      %dma_wait3A_93 = tpu.memref_slice %arg3[%add3A_47, %dma_wait3A_92] : memref<1280x128xi32, #tpu.memory_space<hbm>> -> memref<40x128xi32, #tpu.memory_space<hbm>>
      tpu.wait_dma2 semaphore(%run_scoped3A : memref<!tpu.dma_semaphore, #tpu.memory_space<semaphore_mem>>) src(%dma_wait3A_93 : memref<40x128xi32, #tpu.memory_space<hbm>>) dst(%arg7 : memref<40x128xi32, #tpu.memory_space<vmem>>)
      tpu.yield
    }) : () -> ()
    %dma_start3A_48 = arith.constant 0 : i32
    %dma_start3A_49 = arith.constant 0 : i32
    %dma_start3A_50 = arith.constant 0 : i32
    %dma_start3A_51 = arith.constant 0 : i32
    %dma_start3A_52 = tpu.memref_slice %arg8[%dma_start3A_49, %dma_start3A_50, %dma_start3A_51] : memref<2x128x128xf32, #tpu.memory_space<vmem>> -> memref<1x128x128xf32, #tpu.memory_space<vmem>>
    %dma_start3A_53 = tpu.memref_squeeze %dma_start3A_52 : memref<1x128x128xf32, #tpu.memory_space<vmem>> -> memref<128x128xf32, #tpu.memory_space<vmem>>
    %dma_start3A_54 = arith.constant 0 : i32
    %dma_start3A_55 = tpu.memref_slice %arg7[%dma_start3A_48, %dma_start3A_54] : memref<40x128xi32, #tpu.memory_space<vmem>> -> memref<1x128xi32, #tpu.memory_space<vmem>>
    %dma_start3A_56 = tpu.memref_squeeze %dma_start3A_55 : memref<1x128xi32, #tpu.memory_space<vmem>> -> memref<128xi32, #tpu.memory_space<vmem>>
    %dma_start3A_57 = arith.constant 0 : i32
    %dma_start3A_58 = arith.constant 0 : i32
    %dma_start3A_59 = tpu.memref_slice %arg4[%arg0, %dma_start3A_57, %dma_start3A_58] : memref<2x10240x128xf32, #tpu.memory_space<hbm>> -> memref<1x10240x128xf32, #tpu.memory_space<hbm>>
    %dma_start3A_60 = tpu.memref_squeeze %dma_start3A_59 : memref<1x10240x128xf32, #tpu.memory_space<hbm>> -> memref<10240x128xf32, #tpu.memory_space<hbm>>
    %dma_start3A_61 = arith.constant 0 : i32
    %dma_start3A_62 = arith.constant 0 : i32
    %dma_start3A_63 = tpu.memref_slice %dma_start3A_60[%dma_start3A_61, %dma_start3A_62] : memref<10240x128xf32, #tpu.memory_space<hbm>> -> memref<10240x128xf32, #tpu.memory_space<hbm>>
    tpu.enqueue_indirect_dma source(%dma_start3A_63 : memref<10240x128xf32, #tpu.memory_space<hbm>>) target(%dma_start3A_53 : memref<128x128xf32, #tpu.memory_space<vmem>>) offsets(%dma_start3A_56 : memref<128xi32, #tpu.memory_space<vmem>>) semaphore(%arg10 : memref<!tpu.dma_semaphore, #tpu.memory_space<semaphore_mem>>)
    %scan3A_64 = arith.constant 0 : i32
    %scan3A_65 = arith.constant 40 : i32
    %scan3A_66 = arith.addi %scan3A_64, %scan3A_65 : i32
    %scan3A_67 = arith.constant 1 : i32
    scf.for %scan3A_86 = %scan3A_64 to %scan3A_66 step %scan3A_67  : i32 {
      %mul3A_87 = arith.constant 1 : i32
      %mul3A_88 = arith.muli %scan3A_86, %mul3A_87 : i32
      %add3A_89 = arith.constant 0 : i32
      %add3A_90 = arith.addi %add3A_89, %mul3A_88 : i32
      %rem3A = arith.constant 2 : i32
      %rem3A_91 = arith.remsi %add3A_90, %rem3A : i32
      %sub3A = arith.constant 1 : i32
      %sub3A_92 = arith.subi %sub3A, %rem3A_91 : i32
      %ge3A = arith.constant 1 : i32
      %ge3A_93 = arith.cmpi sge, %add3A_90, %ge3A : i32
      %convert_element_type3A = arith.extui %ge3A_93 : i1 to i32
      %cond3A = arith.constant 0 : i32
      %cond3A_94 = arith.cmpi ne, %convert_element_type3A, %cond3A : i32
      scf.if %cond3A_94 {
        %sub3A_125 = arith.constant 1 : i32
        %sub3A_126 = arith.subi %add3A_90, %sub3A_125 : i32
        %dma_wait3A_127 = arith.constant 0 : i32
        %dma_wait3A_128 = arith.constant 0 : i32
        %dma_wait3A_129 = tpu.memref_slice %arg8[%sub3A_92, %dma_wait3A_127, %dma_wait3A_128] : memref<2x128x128xf32, #tpu.memory_space<vmem>> -> memref<1x128x128xf32, #tpu.memory_space<vmem>>
        %dma_wait3A_130 = tpu.memref_squeeze %dma_wait3A_129 : memref<1x128x128xf32, #tpu.memory_space<vmem>> -> memref<128x128xf32, #tpu.memory_space<vmem>>
        %dma_wait3A_131 = arith.constant 0 : i32
        %dma_wait3A_132 = tpu.memref_slice %arg6[%sub3A_126, %dma_wait3A_131] : memref<40x128xi32, #tpu.memory_space<vmem>> -> memref<1x128xi32, #tpu.memory_space<vmem>>
        %dma_wait3A_133 = tpu.memref_squeeze %dma_wait3A_132 : memref<1x128xi32, #tpu.memory_space<vmem>> -> memref<128xi32, #tpu.memory_space<vmem>>
        %dma_wait3A_134 = arith.constant 0 : i32
        %dma_wait3A_135 = arith.constant 0 : i32
        %dma_wait3A_136 = tpu.memref_slice %arg9[%dma_wait3A_134, %dma_wait3A_135] : memref<10240x128xf32, #tpu.memory_space<vmem_shared>> -> memref<10240x128xf32, #tpu.memory_space<vmem_shared>>
        tpu.wait_indirect_dma semaphore(%arg11 : memref<!tpu.dma_semaphore, #tpu.memory_space<semaphore_mem>>) src(%dma_wait3A_130 : memref<128x128xf32, #tpu.memory_space<vmem>>) dst(%dma_wait3A_136 : memref<10240x128xf32, #tpu.memory_space<vmem_shared>>)
      } else {
      }
      %add3A_95 = arith.constant 1 : i32
      %add3A_96 = arith.addi %add3A_90, %add3A_95 : i32
      %lt3A = arith.constant 40 : i32
      %lt3A_97 = arith.cmpi slt, %add3A_96, %lt3A : i32
      %convert_element_type3A_98 = arith.extui %lt3A_97 : i1 to i32
      %cond3A_99 = arith.constant 0 : i32
      %cond3A_100 = arith.cmpi ne, %convert_element_type3A_98, %cond3A_99 : i32
      scf.if %cond3A_100 {
        %add3A_125 = arith.constant 1 : i32
        %add3A_126 = arith.addi %add3A_90, %add3A_125 : i32
        %dma_start3A_127 = arith.constant 0 : i32
        %dma_start3A_128 = arith.constant 0 : i32
        %dma_start3A_129 = tpu.memref_slice %arg8[%sub3A_92, %dma_start3A_127, %dma_start3A_128] : memref<2x128x128xf32, #tpu.memory_space<vmem>> -> memref<1x128x128xf32, #tpu.memory_space<vmem>>
        %dma_start3A_130 = tpu.memref_squeeze %dma_start3A_129 : memref<1x128x128xf32, #tpu.memory_space<vmem>> -> memref<128x128xf32, #tpu.memory_space<vmem>>
        %dma_start3A_131 = arith.constant 0 : i32
        %dma_start3A_132 = tpu.memref_slice %arg7[%add3A_126, %dma_start3A_131] : memref<40x128xi32, #tpu.memory_space<vmem>> -> memref<1x128xi32, #tpu.memory_space<vmem>>
        %dma_start3A_133 = tpu.memref_squeeze %dma_start3A_132 : memref<1x128xi32, #tpu.memory_space<vmem>> -> memref<128xi32, #tpu.memory_space<vmem>>
        %dma_start3A_134 = arith.constant 0 : i32
        %dma_start3A_135 = arith.constant 0 : i32
        %dma_start3A_136 = tpu.memref_slice %arg4[%arg0, %dma_start3A_134, %dma_start3A_135] : memref<2x10240x128xf32, #tpu.memory_space<hbm>> -> memref<1x10240x128xf32, #tpu.memory_space<hbm>>
        %dma_start3A_137 = tpu.memref_squeeze %dma_start3A_136 : memref<1x10240x128xf32, #tpu.memory_space<hbm>> -> memref<10240x128xf32, #tpu.memory_space<hbm>>
        %dma_start3A_138 = arith.constant 0 : i32
        %dma_start3A_139 = arith.constant 0 : i32
        %dma_start3A_140 = tpu.memref_slice %dma_start3A_137[%dma_start3A_138, %dma_start3A_139] : memref<10240x128xf32, #tpu.memory_space<hbm>> -> memref<10240x128xf32, #tpu.memory_space<hbm>>
        tpu.enqueue_indirect_dma source(%dma_start3A_140 : memref<10240x128xf32, #tpu.memory_space<hbm>>) target(%dma_start3A_130 : memref<128x128xf32, #tpu.memory_space<vmem>>) offsets(%dma_start3A_133 : memref<128xi32, #tpu.memory_space<vmem>>) semaphore(%arg10 : memref<!tpu.dma_semaphore, #tpu.memory_space<semaphore_mem>>)
      } else {
      }
      %dma_wait3A_101 = arith.constant 0 : i32
      %dma_wait3A_102 = arith.constant 0 : i32
      %dma_wait3A_103 = tpu.memref_slice %arg8[%rem3A_91, %dma_wait3A_101, %dma_wait3A_102] : memref<2x128x128xf32, #tpu.memory_space<vmem>> -> memref<1x128x128xf32, #tpu.memory_space<vmem>>
      %dma_wait3A_104 = tpu.memref_squeeze %dma_wait3A_103 : memref<1x128x128xf32, #tpu.memory_space<vmem>> -> memref<128x128xf32, #tpu.memory_space<vmem>>
      %dma_wait3A_105 = arith.constant 0 : i32
      %dma_wait3A_106 = tpu.memref_slice %arg7[%add3A_90, %dma_wait3A_105] : memref<40x128xi32, #tpu.memory_space<vmem>> -> memref<1x128xi32, #tpu.memory_space<vmem>>
      %dma_wait3A_107 = tpu.memref_squeeze %dma_wait3A_106 : memref<1x128xi32, #tpu.memory_space<vmem>> -> memref<128xi32, #tpu.memory_space<vmem>>
      %dma_wait3A_108 = arith.constant 0 : i32
      %dma_wait3A_109 = arith.constant 0 : i32
      %dma_wait3A_110 = tpu.memref_slice %arg4[%arg0, %dma_wait3A_108, %dma_wait3A_109] : memref<2x10240x128xf32, #tpu.memory_space<hbm>> -> memref<1x10240x128xf32, #tpu.memory_space<hbm>>
      %dma_wait3A_111 = tpu.memref_squeeze %dma_wait3A_110 : memref<1x10240x128xf32, #tpu.memory_space<hbm>> -> memref<10240x128xf32, #tpu.memory_space<hbm>>
      %dma_wait3A_112 = arith.constant 0 : i32
      %dma_wait3A_113 = arith.constant 0 : i32
      %dma_wait3A_114 = tpu.memref_slice %dma_wait3A_111[%dma_wait3A_112, %dma_wait3A_113] : memref<10240x128xf32, #tpu.memory_space<hbm>> -> memref<10240x128xf32, #tpu.memory_space<hbm>>
      tpu.wait_indirect_dma semaphore(%arg10 : memref<!tpu.dma_semaphore, #tpu.memory_space<semaphore_mem>>) src(%dma_wait3A_114 : memref<10240x128xf32, #tpu.memory_space<hbm>>) dst(%dma_wait3A_104 : memref<128x128xf32, #tpu.memory_space<vmem>>)
      %dma_start3A_115 = arith.constant 0 : i32
      %dma_start3A_116 = arith.constant 0 : i32
      %dma_start3A_117 = tpu.memref_slice %arg8[%rem3A_91, %dma_start3A_115, %dma_start3A_116] : memref<2x128x128xf32, #tpu.memory_space<vmem>> -> memref<1x128x128xf32, #tpu.memory_space<vmem>>
      %dma_start3A_118 = tpu.memref_squeeze %dma_start3A_117 : memref<1x128x128xf32, #tpu.memory_space<vmem>> -> memref<128x128xf32, #tpu.memory_space<vmem>>
      %dma_start3A_119 = arith.constant 0 : i32
      %dma_start3A_120 = tpu.memref_slice %arg6[%add3A_90, %dma_start3A_119] : memref<40x128xi32, #tpu.memory_space<vmem>> -> memref<1x128xi32, #tpu.memory_space<vmem>>
      %dma_start3A_121 = tpu.memref_squeeze %dma_start3A_120 : memref<1x128xi32, #tpu.memory_space<vmem>> -> memref<128xi32, #tpu.memory_space<vmem>>
      %dma_start3A_122 = arith.constant 0 : i32
      %dma_start3A_123 = arith.constant 0 : i32
      %dma_start3A_124 = tpu.memref_slice %arg9[%dma_start3A_122, %dma_start3A_123] : memref<10240x128xf32, #tpu.memory_space<vmem_shared>> -> memref<10240x128xf32, #tpu.memory_space<vmem_shared>>
      tpu.enqueue_indirect_dma source(%dma_start3A_118 : memref<128x128xf32, #tpu.memory_space<vmem>>) target(%dma_start3A_124 : memref<10240x128xf32, #tpu.memory_space<vmem_shared>>) offsets(%dma_start3A_121 : memref<128xi32, #tpu.memory_space<vmem>>) semaphore(%arg11 : memref<!tpu.dma_semaphore, #tpu.memory_space<semaphore_mem>>) {add = true}
    }
    %scan3A_68 = arith.constant 40 : i32
    %dma_wait3A_69 = arith.constant 1 : i32
    %dma_wait3A_70 = arith.constant 39 : i32
    %dma_wait3A_71 = arith.constant 0 : i32
    %dma_wait3A_72 = arith.constant 0 : i32
    %dma_wait3A_73 = tpu.memref_slice %arg8[%dma_wait3A_69, %dma_wait3A_71, %dma_wait3A_72] : memref<2x128x128xf32, #tpu.memory_space<vmem>> -> memref<1x128x128xf32, #tpu.memory_space<vmem>>
    %dma_wait3A_74 = tpu.memref_squeeze %dma_wait3A_73 : memref<1x128x128xf32, #tpu.memory_space<vmem>> -> memref<128x128xf32, #tpu.memory_space<vmem>>
    %dma_wait3A_75 = arith.constant 0 : i32
    %dma_wait3A_76 = tpu.memref_slice %arg6[%dma_wait3A_70, %dma_wait3A_75] : memref<40x128xi32, #tpu.memory_space<vmem>> -> memref<1x128xi32, #tpu.memory_space<vmem>>
    %dma_wait3A_77 = tpu.memref_squeeze %dma_wait3A_76 : memref<1x128xi32, #tpu.memory_space<vmem>> -> memref<128xi32, #tpu.memory_space<vmem>>
    %dma_wait3A_78 = arith.constant 0 : i32
    %dma_wait3A_79 = arith.constant 0 : i32
    %dma_wait3A_80 = tpu.memref_slice %arg9[%dma_wait3A_78, %dma_wait3A_79] : memref<10240x128xf32, #tpu.memory_space<vmem_shared>> -> memref<10240x128xf32, #tpu.memory_space<vmem_shared>>
    tpu.wait_indirect_dma semaphore(%arg11 : memref<!tpu.dma_semaphore, #tpu.memory_space<semaphore_mem>>) src(%dma_wait3A_74 : memref<128x128xf32, #tpu.memory_space<vmem>>) dst(%dma_wait3A_80 : memref<10240x128xf32, #tpu.memory_space<vmem_shared>>)
    %barrier3A_81 = arith.constant 0 : index
    tpu.barrier barrier_id(%barrier3A_81)
    %mul3A_82 = arith.constant 640 : i32
    %mul3A_83 = arith.muli %arg1, %mul3A_82 : i32
    %mul3A_84 = arith.constant 640 : i32
    %mul3A_85 = arith.muli %arg1, %mul3A_84 : i32
    "tpu.region"() ({
      %run_scoped3A = tpu.sem_alloc : memref<!tpu.dma_semaphore, #tpu.memory_space<semaphore_mem>>
      %dma_start3A_86 = arith.constant 0 : i32
      %dma_start3A_87 = arith.constant 0 : i32
      %dma_start3A_88 = tpu.memref_slice %arg5[%arg0, %dma_start3A_86, %dma_start3A_87] : memref<2x10240x128xf32, #tpu.memory_space<hbm>> -> memref<1x10240x128xf32, #tpu.memory_space<hbm>>
      %dma_start3A_89 = tpu.memref_squeeze %dma_start3A_88 : memref<1x10240x128xf32, #tpu.memory_space<hbm>> -> memref<10240x128xf32, #tpu.memory_space<hbm>>
      %dma_start3A_90 = arith.constant 0 : i32
      %dma_start3A_91 = tpu.memref_slice %dma_start3A_89[%mul3A_85, %dma_start3A_90] : memref<10240x128xf32, #tpu.memory_space<hbm>> -> memref<640x128xf32, #tpu.memory_space<hbm>>
      %dma_start3A_92 = arith.constant 0 : i32
      %dma_start3A_93 = tpu.memref_slice %arg9[%mul3A_83, %dma_start3A_92] : memref<10240x128xf32, #tpu.memory_space<vmem_shared>> -> memref<640x128xf32, #tpu.memory_space<vmem_shared>>
      tpu.enqueue_dma source(%dma_start3A_93 : memref<640x128xf32, #tpu.memory_space<vmem_shared>>) target(%dma_start3A_91 : memref<640x128xf32, #tpu.memory_space<hbm>>) target_semaphore(%run_scoped3A : memref<!tpu.dma_semaphore, #tpu.memory_space<semaphore_mem>>)
      %dma_wait3A_94 = arith.constant 0 : i32
      %dma_wait3A_95 = arith.constant 0 : i32
      %dma_wait3A_96 = tpu.memref_slice %arg5[%arg0, %dma_wait3A_94, %dma_wait3A_95] : memref<2x10240x128xf32, #tpu.memory_space<hbm>> -> memref<1x10240x128xf32, #tpu.memory_space<hbm>>
      %dma_wait3A_97 = tpu.memref_squeeze %dma_wait3A_96 : memref<1x10240x128xf32, #tpu.memory_space<hbm>> -> memref<10240x128xf32, #tpu.memory_space<hbm>>
      %dma_wait3A_98 = arith.constant 0 : i32
      %dma_wait3A_99 = tpu.memref_slice %dma_wait3A_97[%mul3A_85, %dma_wait3A_98] : memref<10240x128xf32, #tpu.memory_space<hbm>> -> memref<640x128xf32, #tpu.memory_space<hbm>>
      %dma_wait3A_100 = arith.constant 0 : i32
      %dma_wait3A_101 = tpu.memref_slice %arg9[%mul3A_83, %dma_wait3A_100] : memref<10240x128xf32, #tpu.memory_space<vmem_shared>> -> memref<640x128xf32, #tpu.memory_space<vmem_shared>>
      tpu.wait_dma2 semaphore(%run_scoped3A : memref<!tpu.dma_semaphore, #tpu.memory_space<semaphore_mem>>) src(%dma_wait3A_101 : memref<640x128xf32, #tpu.memory_space<vmem_shared>>) dst(%dma_wait3A_99 : memref<640x128xf32, #tpu.memory_space<hbm>>)
      tpu.yield
    }) : () -> ()
    return
  }
}

module attributes {stable_mosaic.version = 14 : i64} {
  func.func @_norm_body(%arg0: i32, %arg1: memref<512x256xf32, #tpu.memory_space<vmem>>, %arg2: memref<512x2xf32, #tpu.memory_space<vmem>>, %arg3: memref<1x256xf32, #tpu.memory_space<vmem>>, %arg4: memref<1x256xf32, #tpu.memory_space<vmem>>, %arg5: memref<2x512x128xf32, #tpu.memory_space<vmem>>, %arg6: memref<512x1xf32, #tpu.memory_space<vmem>>) attributes {dimension_semantics = [#tpu.dimension_semantics<arbitrary>], iteration_bounds = array<i64: 20>, scalar_prefetch = 0 : i64, scratch_operands = 0 : i64, tpu.core_type = #tpu.core_type<tc>, window_params = [{transform_indices = @transform_0, window_bounds = array<i64: 512, 256>}, {transform_indices = @transform_1, window_bounds = array<i64: 512, 2>}, {pipeline_mode = #tpu.pipeline_mode<synchronous>, transform_indices = @transform_2, window_bounds = array<i64: 1, 256>}, {pipeline_mode = #tpu.pipeline_mode<synchronous>, transform_indices = @transform_3, window_bounds = array<i64: 1, 256>}, {transform_indices = @transform_4, window_bounds = array<i64: 2, 512, 128>}, {transform_indices = @transform_5, window_bounds = array<i64: 512, 1>}]} {
    %get3A = arith.constant 0 : index
    %get3A_0 = arith.constant 0 : index
    %get3A_1 = vector.load %arg1[%get3A, %get3A_0] : memref<512x256xf32, #tpu.memory_space<vmem>>, vector<512x256xf32>
    %reduce_sum3A = arith.constant dense<0.000000e+00> : vector<512xf32>
    %reduce_sum3A_2 = vector.multi_reduction <add>, %get3A_1, %reduce_sum3A [1] : vector<512x256xf32> to vector<512xf32>
    %broadcast_in_dim3A = vector.shape_cast %reduce_sum3A_2 : vector<512xf32> to vector<512x1xf32>
    %div3A = arith.constant 2.560000e+02 : f32
    %div3A_3 = vector.broadcast %div3A : f32 to vector<512x1xf32>
    %div3A_4 = arith.divf %broadcast_in_dim3A, %div3A_3 : vector<512x1xf32>
    %sub3A = vector.broadcast %div3A_4 : vector<512x1xf32> to vector<512x256xf32>
    %sub3A_5 = arith.subf %get3A_1, %sub3A : vector<512x256xf32>
    %mul3A = arith.mulf %sub3A_5, %sub3A_5 : vector<512x256xf32>
    %reduce_sum3A_6 = arith.constant dense<0.000000e+00> : vector<512xf32>
    %reduce_sum3A_7 = vector.multi_reduction <add>, %mul3A, %reduce_sum3A_6 [1] : vector<512x256xf32> to vector<512xf32>
    %broadcast_in_dim3A_8 = vector.shape_cast %reduce_sum3A_7 : vector<512xf32> to vector<512x1xf32>
    %div3A_9 = arith.constant 2.560000e+02 : f32
    %div3A_10 = vector.broadcast %div3A_9 : f32 to vector<512x1xf32>
    %div3A_11 = arith.divf %broadcast_in_dim3A_8, %div3A_10 : vector<512x1xf32>
    %add3A = arith.constant 9.99999974E-6 : f32
    %add3A_12 = vector.broadcast %add3A : f32 to vector<512x1xf32>
    %add3A_13 = arith.addf %div3A_11, %add3A_12 : vector<512x1xf32>
    %rsqrt3A = math.rsqrt %add3A_13 : vector<512x1xf32>
    %mul3A_14 = vector.broadcast %rsqrt3A : vector<512x1xf32> to vector<512x256xf32>
    %mul3A_15 = arith.mulf %sub3A_5, %mul3A_14 : vector<512x256xf32>
    %get3A_16 = arith.constant 0 : index
    %get3A_17 = arith.constant 0 : index
    %get3A_18 = vector.load %arg3[%get3A_16, %get3A_17] : memref<1x256xf32, #tpu.memory_space<vmem>>, vector<1x256xf32>
    %mul3A_19 = vector.broadcast %get3A_18 : vector<1x256xf32> to vector<512x256xf32>
    %mul3A_20 = arith.mulf %mul3A_15, %mul3A_19 : vector<512x256xf32>
    %get3A_21 = arith.constant 0 : index
    %get3A_22 = arith.constant 0 : index
    %get3A_23 = vector.load %arg4[%get3A_21, %get3A_22] : memref<1x256xf32, #tpu.memory_space<vmem>>, vector<1x256xf32>
    %add3A_24 = vector.broadcast %get3A_23 : vector<1x256xf32> to vector<512x256xf32>
    %add3A_25 = arith.addf %mul3A_20, %add3A_24 : vector<512x256xf32>
    %get3A_26 = arith.constant 0 : index
    %get3A_27 = arith.constant 0 : index
    %get3A_28 = vector.load %arg2[%get3A_26, %get3A_27] : memref<512x2xf32, #tpu.memory_space<vmem>>, vector<512x2xf32>
    %reduce_sum3A_29 = arith.constant dense<0.000000e+00> : vector<512xf32>
    %reduce_sum3A_30 = vector.multi_reduction <add>, %get3A_28, %reduce_sum3A_29 [1] : vector<512x2xf32> to vector<512xf32>
    %broadcast_in_dim3A_31 = vector.shape_cast %reduce_sum3A_30 : vector<512xf32> to vector<512x1xf32>
    %add3A_32 = arith.constant 1.000000e+00 : f32
    %add3A_33 = vector.broadcast %add3A_32 : f32 to vector<512x1xf32>
    %add3A_34 = arith.addf %broadcast_in_dim3A_31, %add3A_33 : vector<512x1xf32>
    %rsqrt3A_35 = math.rsqrt %add3A_34 : vector<512x1xf32>
    %mul3A_36 = arith.constant 512 : i32
    %mul3A_37 = arith.muli %arg0, %mul3A_36 : i32
    %iota3A = tpu.iota {dimensions = array<i32: 0>} : vector<512x1xi32>
    %add3A_38 = vector.broadcast %mul3A_37 : i32 to vector<512x1xi32>
    %add3A_39 = arith.addi %add3A_38, %iota3A : vector<512x1xi32>
    %lt3A = arith.constant 10000 : i32
    %lt3A_40 = vector.broadcast %lt3A : i32 to vector<512x1xi32>
    %lt3A_41 = arith.cmpi slt, %add3A_39, %lt3A_40 : vector<512x1xi32>
    %mul3A_42 = vector.broadcast %rsqrt3A_35 : vector<512x1xf32> to vector<512x256xf32>
    %mul3A_43 = arith.mulf %add3A_25, %mul3A_42 : vector<512x256xf32>
    %jit3A = arith.constant 0.000000e+00 : f32
    %broadcast_in_dim3A_44 = vector.shape_cast %lt3A_41 : vector<512x1xi1> to vector<512x1xi1>
    %broadcast_in_dim3A_45 = vector.broadcast %broadcast_in_dim3A_44 : vector<512x1xi1> to vector<512x256xi1>
    %broadcast_in_dim3A_46 = vector.broadcast %jit3A : f32 to vector<512x256xf32>
    %select_n3A = arith.select %broadcast_in_dim3A_45, %mul3A_43, %broadcast_in_dim3A_46 : vector<512x256xi1>, vector<512x256xf32>
    %slice3A = vector.extract_strided_slice %select_n3A {offsets = [0, 0], sizes = [512, 128], strides = [1, 1]} : vector<512x256xf32> to vector<512x128xf32>
    %swap3A = arith.constant 0 : index
    %swap3A_47 = arith.constant 0 : index
    %swap3A_48 = arith.constant 0 : index
    %swap3A_49 = vector.load %arg5[%swap3A, %swap3A_47, %swap3A_48] : memref<2x512x128xf32, #tpu.memory_space<vmem>>, vector<1x512x128xf32>
    %swap3A_50 = vector.shape_cast %swap3A_49 : vector<1x512x128xf32> to vector<512x128xf32>
    %swap3A_51 = vector.shape_cast %slice3A : vector<512x128xf32> to vector<1x512x128xf32>
    tpu.vector_store %arg5[%swap3A, %swap3A_47, %swap3A_48], %swap3A_51 {strides = array<i32>} : memref<2x512x128xf32, #tpu.memory_space<vmem>>, vector<1x512x128xf32>,
    %slice3A_52 = vector.extract_strided_slice %select_n3A {offsets = [0, 128], sizes = [512, 128], strides = [1, 1]} : vector<512x256xf32> to vector<512x128xf32>
    %swap3A_53 = arith.constant 1 : index
    %swap3A_54 = arith.constant 0 : index
    %swap3A_55 = arith.constant 0 : index
    %swap3A_56 = vector.load %arg5[%swap3A_53, %swap3A_54, %swap3A_55] : memref<2x512x128xf32, #tpu.memory_space<vmem>>, vector<1x512x128xf32>
    %swap3A_57 = vector.shape_cast %swap3A_56 : vector<1x512x128xf32> to vector<512x128xf32>
    %swap3A_58 = vector.shape_cast %slice3A_52 : vector<512x128xf32> to vector<1x512x128xf32>
    tpu.vector_store %arg5[%swap3A_53, %swap3A_54, %swap3A_55], %swap3A_58 {strides = array<i32>} : memref<2x512x128xf32, #tpu.memory_space<vmem>>, vector<1x512x128xf32>,
    %swap3A_59 = arith.constant 0 : index
    %swap3A_60 = arith.constant 0 : index
    %swap3A_61 = vector.load %arg6[%swap3A_59, %swap3A_60] : memref<512x1xf32, #tpu.memory_space<vmem>>, vector<512x1xf32>
    tpu.vector_store %arg6[%swap3A_59, %swap3A_60], %rsqrt3A_35 {strides = array<i32>} : memref<512x1xf32, #tpu.memory_space<vmem>>, vector<512x1xf32>,
    return
  }
  func.func @transform_0(%arg0: i32) -> (i32, i32) {
    %c0_i32 = arith.constant 0 : i32
    %c0_i32_0 = arith.constant 0 : i32
    return %arg0, %c0_i32 : i32, i32
  }
  func.func @transform_1(%arg0: i32) -> (i32, i32) {
    %c0_i32 = arith.constant 0 : i32
    %c0_i32_0 = arith.constant 0 : i32
    return %arg0, %c0_i32 : i32, i32
  }
  func.func @transform_2(%arg0: i32) -> (i32, i32) {
    %c0_i32 = arith.constant 0 : i32
    %c0_i32_0 = arith.constant 0 : i32
    %c0_i32_1 = arith.constant 0 : i32
    return %c0_i32, %c0_i32_0 : i32, i32
  }
  func.func @transform_3(%arg0: i32) -> (i32, i32) {
    %c0_i32 = arith.constant 0 : i32
    %c0_i32_0 = arith.constant 0 : i32
    %c0_i32_1 = arith.constant 0 : i32
    return %c0_i32, %c0_i32_0 : i32, i32
  }
  func.func @transform_4(%arg0: i32) -> (i32, i32, i32) {
    %c0_i32 = arith.constant 0 : i32
    %c0_i32_0 = arith.constant 0 : i32
    %c0_i32_1 = arith.constant 0 : i32
    return %c0_i32, %arg0, %c0_i32_0 : i32, i32, i32
  }
  func.func @transform_5(%arg0: i32) -> (i32, i32) {
    %c0_i32 = arith.constant 0 : i32
    %c0_i32_0 = arith.constant 0 : i32
    return %arg0, %c0_i32 : i32, i32
  }
}

module attributes {stable_mosaic.version = 14 : i64} {
  func.func @_out_body(%arg0: i32, %arg1: memref<2x400x128xf32, #tpu.memory_space<vmem>>, %arg2: memref<400x1xf32, #tpu.memory_space<vmem>>, %arg3: memref<256x256xf32, #tpu.memory_space<vmem>>, %arg4: memref<1x256xf32, #tpu.memory_space<vmem>>, %arg5: memref<400x256xf32, #tpu.memory_space<vmem>>) attributes {dimension_semantics = [#tpu.dimension_semantics<arbitrary>], iteration_bounds = array<i64: 25>, scalar_prefetch = 0 : i64, scratch_operands = 0 : i64, tpu.core_type = #tpu.core_type<tc>, window_params = [{transform_indices = @transform_0, window_bounds = array<i64: 2, 400, 128>}, {transform_indices = @transform_1, window_bounds = array<i64: 400, 1>}, {pipeline_mode = #tpu.pipeline_mode<synchronous>, transform_indices = @transform_2, window_bounds = array<i64: 256, 256>}, {pipeline_mode = #tpu.pipeline_mode<synchronous>, transform_indices = @transform_3, window_bounds = array<i64: 1, 256>}, {transform_indices = @transform_4, window_bounds = array<i64: 400, 256>}]} {
    %get3A = arith.constant 0 : index
    %get3A_0 = arith.constant 0 : index
    %get3A_1 = arith.constant 0 : index
    %get3A_2 = vector.load %arg1[%get3A, %get3A_0, %get3A_1] : memref<2x400x128xf32, #tpu.memory_space<vmem>>, vector<1x400x128xf32>
    %get3A_3 = vector.shape_cast %get3A_2 : vector<1x400x128xf32> to vector<400x128xf32>
    %get3A_4 = arith.constant 1 : index
    %get3A_5 = arith.constant 0 : index
    %get3A_6 = arith.constant 0 : index
    %get3A_7 = vector.load %arg1[%get3A_4, %get3A_5, %get3A_6] : memref<2x400x128xf32, #tpu.memory_space<vmem>>, vector<1x400x128xf32>
    %get3A_8 = vector.shape_cast %get3A_7 : vector<1x400x128xf32> to vector<400x128xf32>
    %concatenate3A = tpu.concatenate %get3A_3, %get3A_8 in 1 : vector<400x128xf32>, vector<400x128xf32> -> vector<400x256xf32>
    %get3A_9 = arith.constant 0 : index
    %get3A_10 = arith.constant 0 : index
    %get3A_11 = vector.load %arg2[%get3A_9, %get3A_10] : memref<400x1xf32, #tpu.memory_space<vmem>>, vector<400x1xf32>
    %mul3A = vector.broadcast %get3A_11 : vector<400x1xf32> to vector<400x256xf32>
    %mul3A_12 = arith.mulf %concatenate3A, %mul3A : vector<400x256xf32>
    %get3A_13 = arith.constant 0 : index
    %get3A_14 = arith.constant 0 : index
    %get3A_15 = vector.load %arg3[%get3A_13, %get3A_14] : memref<256x256xf32, #tpu.memory_space<vmem>>, vector<256x256xf32>
    %dot_general3A = arith.constant dense<0.000000e+00> : vector<400x256xf32>
    %dot_general3A_16 = tpu.matmul %mul3A_12, %get3A_15, %dot_general3A {dimension_numbers = #tpu.dot_dimension_numbers<[1], [0], [0], [1], [0, 0, 1, 1], [], []>, transpose_lhs_hint = false} : vector<400x256xf32>, vector<256x256xf32>, vector<400x256xf32> -> vector<400x256xf32>
    %get3A_17 = arith.constant 0 : index
    %get3A_18 = arith.constant 0 : index
    %get3A_19 = vector.load %arg4[%get3A_17, %get3A_18] : memref<1x256xf32, #tpu.memory_space<vmem>>, vector<1x256xf32>
    %add3A = vector.broadcast %get3A_19 : vector<1x256xf32> to vector<400x256xf32>
    %add3A_20 = arith.addf %dot_general3A_16, %add3A : vector<400x256xf32>
    %mul3A_21 = arith.constant 5.000000e-01 : f32
    %mul3A_22 = vector.broadcast %mul3A_21 : f32 to vector<400x256xf32>
    %mul3A_23 = arith.mulf %add3A_20, %mul3A_22 : vector<400x256xf32>
    %mul3A_24 = arith.constant 0.707106769 : f32
    %mul3A_25 = vector.broadcast %mul3A_24 : f32 to vector<400x256xf32>
    %mul3A_26 = arith.mulf %add3A_20, %mul3A_25 : vector<400x256xf32>
    %erf3A = math.erf %mul3A_26 : vector<400x256xf32>
    %add3A_27 = arith.constant 1.000000e+00 : f32
    %add3A_28 = vector.broadcast %add3A_27 : f32 to vector<400x256xf32>
    %add3A_29 = arith.addf %add3A_28, %erf3A : vector<400x256xf32>
    %mul3A_30 = arith.mulf %mul3A_23, %add3A_29 : vector<400x256xf32>
    %swap3A = arith.constant 0 : index
    %swap3A_31 = arith.constant 0 : index
    %swap3A_32 = vector.load %arg5[%swap3A, %swap3A_31] : memref<400x256xf32, #tpu.memory_space<vmem>>, vector<400x256xf32>
    tpu.vector_store %arg5[%swap3A, %swap3A_31], %mul3A_30 {strides = array<i32>} : memref<400x256xf32, #tpu.memory_space<vmem>>, vector<400x256xf32>,
    return
  }
  func.func @transform_0(%arg0: i32) -> (i32, i32, i32) {
    %c0_i32 = arith.constant 0 : i32
    %c0_i32_0 = arith.constant 0 : i32
    %c0_i32_1 = arith.constant 0 : i32
    return %c0_i32, %arg0, %c0_i32_0 : i32, i32, i32
  }
  func.func @transform_1(%arg0: i32) -> (i32, i32) {
    %c0_i32 = arith.constant 0 : i32
    %c0_i32_0 = arith.constant 0 : i32
    return %arg0, %c0_i32 : i32, i32
  }
  func.func @transform_2(%arg0: i32) -> (i32, i32) {
    %c0_i32 = arith.constant 0 : i32
    %c0_i32_0 = arith.constant 0 : i32
    %c0_i32_1 = arith.constant 0 : i32
    return %c0_i32, %c0_i32_0 : i32, i32
  }
  func.func @transform_3(%arg0: i32) -> (i32, i32) {
    %c0_i32 = arith.constant 0 : i32
    %c0_i32_0 = arith.constant 0 : i32
    %c0_i32_1 = arith.constant 0 : i32
    return %c0_i32, %c0_i32_0 : i32, i32
  }
  func.func @transform_4(%arg0: i32) -> (i32, i32) {
    %c0_i32 = arith.constant 0 : i32
    %c0_i32_0 = arith.constant 0 : i32
    return %arg0, %c0_i32 : i32, i32
  }
}

</mosaic_0001>

<sc_bundles>
// kernel: kernel.6.cloned.1.call-start
scs
__scs_entry_jumppad:
0x0: {  	(pc) =	sbr.rel $0x88, $3  }
0x1: {  	(tag) =	ssettag $0x0;
	lr =	simm.s32 $0x1  }
0x2: {  	[smem:$0x3F9B] =	sst lr;
	_ =	strace $0xD0000000  }
0x3: {  	_ = 	snop  }
0x4: {  	_ = 	snop  }
0x5: {  	_ = 	snop  }
0x6: {  	_ = 	snop  }
0x7: {  	_ = 	snop  }
__scs_overlays_trampoline_lowered:
0x8: {  	[smem:$0x3FAA] =	sst s0  }
0x9: {  	[smem:$0x3FAB] =	sst s1  }
0xa: {  	[smem:$0x3FAC] =	sst s2  }
0xb: {  	[smem:$0x3FAD] =	sst s3  }
0xc: {  	[smem:$0x3FAE] =	sst s4  }
0xd: {  	[smem:$0x3FAF] =	sst s5  }
0xe: {  	[smem:$0x3FB0] =	sst s6  }
0xf: {  	[smem:$0x3FB1] =	sst s7  }
0x10: {  	[smem:$0x3FB2] =	sst s8  }
0x11: {  	[smem:$0x3FB3] =	sst s9;
	s0 =	simm.s32 @!p0 $0x0  }
0x12: {  	s1 =	sld [smem:$0x3F99];
	s0 =	simm.s32 @p0 $0x1  }
0x13: {  	[smem:$0x3FB4] =	sst s0;
	s0 =	simm.s32 @!p1 $0x0  }
0x14: {  	s2 =	sld [smem:$0x3F98];
	s0 =	simm.s32 @p1 $0x1  }
0x15: {  	[smem:$0x3FB5] =	sst s0;
	s0 =	simm.s32 @!p2 $0x0  }
0x16: {  	s3 =	sld [smem:$0x3FDB];
	s0 =	simm.s32 @p2 $0x1  }
0x17: {  	s4 =	simm.s32 $0x1BF5;
	[smem:$0x3FB7] =	sst s0  }
0x18: {  	s0 =	sld [smem:$0x3F9A];
	_ =	swait.ge [sflag:s4], $0x0  }
0x19: {  	s7 =	sld [smem:$0x3F9B]  }
0x1a: {  	s8 =	sadd.s32 $0xFFFFE003, lr  }
0x1b: {  	s9 =	sadd.s32 $0xFFFFFEF7, lr;
	s5 =	simm.s32 $0xFFFFFFFF;
	p2 =	slt.u32 s8, $0xFFFFF086  }
0x1c: {  	p1 =	slt.u32 s9, $0xF7A;
	s5 =	simm.s32 @!p2 $0x0  }
0x1d: {  	s5 =	simm.s32 @p1 $0x1;
	p0 =	seq.s32 s7, s2  }
0x1e: {  	s7 =	smul.u32 @!p0 $0xF7A, s2;
	p2 =	seq.s32 @!p0 s5, $0x0  }
0x1f: {  	s9 =	smul.u32 $0xF7A, s1;
	s8 =	simm.s32 @!p0 $0x1BF5;
	p2 =	por !p2, p0  }
0x20: {  	[sflag:s8] =	ssyncset.s32 @!p0 $0xFFFFF086;
	s6 =	sadd.s32 @!p0 s3, s7;
	s7 =	simm.s32 @!p0 $0x108  }
0x21: {  	s3 =	sadd.s32 s3, s9;
	s6 =	sadd.s32 @!p0 $0x88, s6;
	s7 =	simm.s32 @p2 $0x1082  }
0x22: {  	[simem:s7], [sflag:s8] =	dma.local @!p0 [hbm:s6], $0xF7A  }
0x23: {  	s9 =	sor.u32 $0xD0000000, s2;
	s6 =	simm.s32 $0x108;
	_ =	swait.ge @!p0 [sflag:s8], $0x0  }
0x24: {  	s3 =	sadd.s32 $0x88, s3;
	s6 =	simm.s32 @!p1 $0x1082;
	[sflag:s4] =	ssyncset.s32 $0xFFFFF086  }
0x25: {  	[simem:s6], [sflag:s4] =	dma.local [hbm:s3], $0xF7A  }
0x26: {  	[smem:$0x3F9B] =	sst s1;
	(tag) =	ssettag s2;
	_ =	strace s9  }
0x27: {  	s1 =	sld [smem:$0x3FAB]  }
0x28: {  	s2 =	sld [smem:$0x3FAC]  }
0x29: {  	s4 =	sld [smem:$0x3FAE]  }
0x2a: {  	p0 =	seq.s32 s5, $0x0;
	s5 =	sld [smem:$0x3FAF]  }
0x2b: {  	s6 =	sld [smem:$0x3FB0]  }
0x2c: {  	s7 =	sld [smem:$0x3FB1]  }
0x2d: {  	s3 =	simm.s32 $0x108;
	s8 =	sld [smem:$0x3FB2]  }
0x2e: {  	s3 =	simm.s32 @!p0 $0x1082;
	s9 =	sld [smem:$0x3FB3]  }
0x2f: {  	lr =	sadd.s32 s0, s3;
	s0 =	sld [smem:$0x3FAA]  }
0x30: {  	s3 =	sld [smem:$0x3FAD]  }
0x31: {  	[smem:$0x3FB6] =	sst s10  }
0x32: {  	s10 =	sld [smem:$0x3FB4];
	_ =	sdelay $0x3  }
0x33: {  	p0 =	seq.s32 s10, $0x1;
	s10 =	sld [smem:$0x3FB6];
	_ =	sdelay $0x3  }
0x34: {  	[smem:$0x3FB6] =	sst s10  }
0x35: {  	s10 =	sld [smem:$0x3FB5];
	_ =	sdelay $0x3  }
0x36: {  	p1 =	seq.s32 s10, $0x1;
	s10 =	sld [smem:$0x3FB6];
	_ =	sdelay $0x3  }
0x37: {  	[smem:$0x3FB6] =	sst s10  }
0x38: {  	s10 =	sld [smem:$0x3FB7]  }
0x39: {  	_ = 	snop;
	(pc) =	sbr.ind lr, $3  }
0x3a: {  	_ = 	snop  }
0x3b: {  	_ = 	snop  }
0x3c: {  	p2 =	seq.s32 s10, $0x1;
	s10 =	sld [smem:$0x3FB6]  }
0x3d: {  	_ =	shalt  }
0x3e: {  	_ =	shalt  }
0x3f: {  	_ =	shalt  }
0x40: {  	_ =	shalt  }
0x41: {  	_ =	shalt  }
0x42: {  	_ =	shalt  }
0x43: {  	_ =	shalt  }
0x44: {  	_ =	shalt  }
0x45: {  	_ =	shalt  }
0x46: {  	_ =	shalt  }
0x47: {  	_ =	shalt  }
0x48: {  	_ =	shalt  }
0x49: {  	_ =	shalt  }
0x4a: {  	_ =	shalt  }
0x4b: {  	_ =	shalt  }
0x4c: {  	_ =	shalt  }
0x4d: {  	_ =	shalt  }
0x4e: {  	_ =	shalt  }
0x4f: {  	_ =	shalt  }
0x50: {  	_ =	shalt  }
0x51: {  	_ =	shalt  }
0x52: {  	_ =	shalt  }
0x53: {  	_ =	shalt  }
0x54: {  	_ =	shalt  }
0x55: {  	_ =	shalt  }
0x56: {  	_ =	shalt  }
0x57: {  	_ =	shalt  }
0x58: {  	_ =	shalt  }
0x59: {  	_ =	shalt  }
0x5a: {  	_ =	shalt  }
0x5b: {  	_ =	shalt  }
0x5c: {  	_ =	shalt  }
0x5d: {  	_ =	shalt  }
0x5e: {  	_ =	shalt  }
0x5f: {  	_ =	shalt  }
0x60: {  	_ =	shalt  }
0x61: {  	_ =	shalt  }
0x62: {  	_ =	shalt  }
0x63: {  	_ =	shalt  }
0x64: {  	_ =	shalt  }
0x65: {  	_ =	shalt  }
0x66: {  	_ =	shalt  }
0x67: {  	_ =	shalt  }
0x68: {  	_ =	shalt  }
0x69: {  	_ =	shalt  }
0x6a: {  	_ =	shalt  }
0x6b: {  	_ =	shalt  }
0x6c: {  	_ =	shalt  }
0x6d: {  	_ =	shalt  }
0x6e: {  	_ =	shalt  }
0x6f: {  	_ =	shalt  }
0x70: {  	_ =	shalt  }
0x71: {  	_ =	shalt  }
0x72: {  	_ =	shalt  }
0x73: {  	_ =	shalt  }
0x74: {  	_ =	shalt  }
0x75: {  	_ =	shalt  }
0x76: {  	_ =	shalt  }
0x77: {  	_ =	shalt  }
0x78: {  	_ =	shalt  }
0x79: {  	_ =	shalt  }
0x7a: {  	_ =	shalt  }
0x7b: {  	_ =	shalt  }
0x7c: {  	_ =	shalt  }
0x7d: {  	_ =	shalt  }
0x7e: {  	_ =	shalt  }
0x7f: {  	_ =	shalt  }
0x80: {  	_ =	shalt  }
0x81: {  	_ =	shalt  }
0x82: {  	_ =	shalt  }
0x83: {  	_ =	shalt  }
0x84: {  	_ =	shalt  }
0x85: {  	_ =	shalt  }
0x86: {  	_ =	shalt  }
0x87: {  	_ =	shalt  }
.Lfunc_end0:
.L_simem_size_0:
called_computation_lowered:
.L_overlay_start_0:
0x88: {  	s2 =	sld [smem:$0x3FD9]  }
0x89: {  	s3 =	sld [smem:$0x3FFE];
	_ =	sdelay $0x1  }
0x8a: {  	s1 =	srdreg.scid  }
0x8b: {  	s0 =	sand.u32 $0x1, s1  }
0x8c: {  	s16 =	sshll.u32 s0, $0xA;
	s2 =	sadd.s32 s3, s2  }
0x8d: {  	s2 =	sadd.s32 s2, s16  }
0x8e: {  	[smem:$0x3FC2] =	sst s2  }
0x8f: {  	_ = 	snop  }
0x90: {  	(tm) =	ssettm $0x1  }
0x91: {  	s17 =	sld [smem:$0x3FFB];
	_ =	sdelay $0x3  }
0x92: {  	_ =	strace s17  }
0x93: {  	s2 =	sld [smem:$0x3FFC];
	_ =	sdelay $0x3  }
0x94: {  	_ =	strace s2  }
0x95: {  	s2 =	sld [smem:$0x3FFD];
	_ =	sdelay $0x3  }
0x96: {  	_ =	strace s2  }
0x97: {  	_ =	strace $0x8FFFFFFF  }
0x98: {  	s18 =	sld [smem:$0x3FDB];
	_ =	sdelay $0x1  }
0x99: {  	s19 =	simm.s32 $_scs_section_size  }
0x9a: {  	s4 =	simm.s32 $_size__tile_overlayer_lowered;
	s5 =	simm.s32 $_tile_overlayer_lowered  }
0x9b: {  	s22 =	simm.s32 $0x1BFF;
	s21 =	sshll.u32 s5, $0x1;
	s2 =	sadd.s32 s19, s18  }
0x9c: {  	s6 =	simm.s32 $0x0;
	s20 =	sshll.u32 s4, $0x1;
	s4 =	sadd.s32 s21, s2  }
0x9d: {  	[timem:s6], [sflag:s22] =	dma.local [hbm:s4], s20  }
0x9e: {  	_ =	swait.ge [sflag:s22], s20  }
0x9f: {  	s3 =	ssub.s32 $0x0, s20;
	[sflag:s22] =	ssyncset.done $0x0  }
0xa0: {  	[sflag:s22] =	ssyncadd.s32 s3;
	_ =	sdelay $0x1  }
0xa1: {  	s23 =	simm.s32 $0x1B8B  }
0xa2: {  	_ =	swait.ge [sflag:s23], $0x1  }
0xa3: {  	[sflag:s23] =	ssyncset.done $0x0  }
0xa4: {  	s25 =	simm.s32 $0x1B8E;
	s24 =	sld [smem:$0x3FFE];
	[sflag:s23] =	ssyncadd.s32 $0xFFFFFFFF  }
0xa5: {  	s26 =	simm.s32 $execute0_lowered;
	[smem:$0x3FD2] =	sst s25  }
0xa6: {  	s4 =	sshll.u32 s26, $0x1;
	_ =	strace $0x80000046;
	[dreg:$0x1] =	wrdreg $0xFFFFFFFF  }
0xa7: {  	s28 =	simm.s32 $_size_execute0_lowered;
	s2 =	sadd.s32 s2, s4;
	[dreg:$0x0] =	wrdreg $0x0  }
0xa8: {  	s4 =	sshll.u32 s28, $0x1;
	[dreg:$0x2] =	wrdreg s2  }
0xa9: {  	[dreg:$0x3] =	wrdreg s4  }
0xaa: {  	[dreg:$0x4] =	wrdreg $0xC0  }
0xab: {  	_ =	task [dreg:s6], $0x5FFFF  }
0xac: {  	[dreg:$0x1] =	wrdreg $0xFFFFFFFF  }
0xad: {  	[dreg:$0x0] =	wrdreg $0x60  }
0xae: {  	[dreg:$0x2] =	wrdreg s24  }
0xaf: {  	[dreg:$0x3] =	wrdreg $0x17000  }
0xb0: {  	[dreg:$0x4] =	wrdreg $0x9  }
0xb1: {  	_ =	task.clear_ibuf [dreg:s6], $0x5FFFF;
	_ =	strace $0x90000046  }
0xb2: {  	s29 =	simm.s32 $0x9;
	_ =	strace $0x80000048  }
0xb3: {  	_ =	swait.ge [sflag:s29], $0x1  }
0xb4: {  	[sflag:s29] =	ssyncadd.s32 $0xFFFFFFFF  }
0xb5: {  	_ =	strace $0x90000048  }
0xb6: {  	_ =	sfence  }
0xb7: {  	s30 =	sld [smem:$0x0];
	_ =	sdelay $0x2  }
0xb8: {  	s31 =	sshll.u32 s1, $0xD;
	s1 =	sshrl.u32 s1, $0x2  }
0xb9: {  	s3 =	sand.u32 $0x4000, s31;
	s1 =	sadd.s32 s1, s30  }
0xba: {  	s0 =	sor.u32 s3, s0;
	s1 =	sshll.u32 s1, $0x11  }
0xbb: {  	s0 =	sor.u32 s1, s0  }
0xbc: {  	s0 =	sadd.s32 $0x8F2B, s0  }
0xbd: {  	[sflag:s0] =	ssyncadd.remote.s32 $0x1  }
0xbe: {  	_ =	sfence.sel $0xFFFF  }
0xbf: {  	[dreg:$0x0] =	wrdreg $0xFFFFFFFF;
	(pc) =	sbr.abs _section_cstart, $3  }
0xc0: {  	[dreg:$0x1] =	wrdreg $0xFFFFFFFF  }
0xc1: {  	_ =	task.clear_ibuf [dreg:s6], $0x2FFFF;
	_ =	strace $0x9FFFFFFF  }
0xc2: {  	(tm) =	ssettm $0x7FFFFFFF  }
0xc3: {  	_ =	shalt  }
tec
execute0_lowered:
.L_overlay_start_1:
0x0: {  	(tag) =	ssettag $0x1  }
0x1: {  	s0 =	srdreg.scid;
	s4 =	rddreg [dreg:$0x0]  }
0x2: {  	s2 =	rddreg [dreg:$0x1];
	s1 =	stileid.u32;
	s3 =	simm.s32 $0x0  }
0x3: {  	s10 =	simm.s32 $0x1400;
	s14 =	simm.s32 $0x20;
	s15 =	simm.s32 $0x10  }
0x4: {  	s5 =	sand.u32 $0x1, s0;
	s0 =	rddreg [dreg:$0x2];
	s8 =	smul.u32 $0xA00, s1  }
0x5: {  	s16 =	simm.s32 $0x0;
	[smem:$0x7FF] =	sst s3;
	s12 =	smul.u32 $0xA0, s1  }
0x6: {  	s13 =	sshll.u32 s1, $0x6;
	s6 =	sshll.u32 s5, $0x4;
	_ =	strace $0x80000047  }
0x7: {  	s5 =	ssub.s32 $0x2, s5;
	s7 =	sor.u32 s1, s6;
	s6 =	sadd.s32 s6, s4  }
0x8: {  	s30 =	sshrl.u32 s5, $0x1;
	s31 =	sshrl.u32 s8, $0x2;
	s8 =	simm.s32 $0x1480  }
0x9: {  	s7 =	smul.u32 $0x280, s7;
	s9 =	ssub.s32 s5, s30;
	s5 =	sadd.s32 s31, s2  }
0xa: {  	s11 =	sadd.s32 $0x6000, s6;
	s6 =	smax.u32 s9, $0x1;
	s9 =	simm.s32 $0x80  }
0xb: {  	s11 =	sadd.s32 s12, s11;
	s12 =	sor.u32 $0x1C01, s13;
	s7 =	sadd.s32 s7, s4  }
0xc: {  	v0 =	vimm.f32 $1.000000000e+00;
	v1 =	vimm.f32 $0.0e+00;
	s13 =	sshrl.u32 s5, $0x3;
	s4 =	sadd.s32 $0x1000, s7;
	s7 =	simm.s32 $0x1  }
.LBB2_1:
0xd: {  	[tilespmem:$0x1400] =	vst v0  }
0xe: {  	[tilespmem:$0x1410] =	vst v0  }
0xf: {  	[tilespmem:$0x1420] =	vst v0  }
0x10: {  	[tilespmem:$0x1430] =	vst v0  }
0x11: {  	[tilespmem:$0x1440] =	vst v0  }
0x12: {  	[tilespmem:$0x1450] =	vst v0  }
0x13: {  	[tilespmem:$0x1460] =	vst v0  }
0x14: {  	[tilespmem:$0x1470] =	vst v0  }
0x15: {  	[tilespmem:$0x1480] =	vst v1  }
0x16: {  	[tilespmem:$0x1490] =	vst v1  }
0x17: {  	[tilespmem:$0x14A0] =	vst v1  }
0x18: {  	[tilespmem:$0x14B0] =	vst v1  }
0x19: {  	[tilespmem:$0x14C0] =	vst v1  }
0x1a: {  	[tilespmem:$0x14D0] =	vst v1  }
0x1b: {  	[tilespmem:$0x14E0] =	vst v1  }
0x1c: {  	[tilespmem:$0x14F0] =	vst v1  }
0x1d: {  	[tilespmem:$0x1500] =	vst v1  }
0x1e: {  	[tilespmem:$0x1510] =	vst v1  }
0x1f: {  	[tilespmem:$0x1520] =	vst v1  }
0x20: {  	[tilespmem:$0x1530] =	vst v1  }
0x21: {  	[tilespmem:$0x1540] =	vst v1  }
0x22: {  	[tilespmem:$0x1550] =	vst v1  }
0x23: {  	[tilespmem:$0x1560] =	vst v1  }
0x24: {  	[tilespmem:$0x1570] =	vst v1  }
0x25: {  	[tilespmem:$0x1580] =	vst v1  }
0x26: {  	[tilespmem:$0x1590] =	vst v1  }
0x27: {  	[tilespmem:$0x15A0] =	vst v1  }
0x28: {  	[tilespmem:$0x15B0] =	vst v1  }
0x29: {  	[tilespmem:$0x15C0] =	vst v1  }
0x2a: {  	[tilespmem:$0x15D0] =	vst v1  }
0x2b: {  	[tilespmem:$0x15E0] =	vst v1  }
0x2c: {  	[tilespmem:$0x15F0] =	vst v1  }
0x2d: {  	[tilespmem:$0x1600] =	vst v1  }
0x2e: {  	[tilespmem:$0x1610] =	vst v1  }
0x2f: {  	[tilespmem:$0x1620] =	vst v1  }
0x30: {  	[tilespmem:$0x1630] =	vst v1  }
0x31: {  	[tilespmem:$0x1640] =	vst v1  }
0x32: {  	[tilespmem:$0x1650] =	vst v1  }
0x33: {  	[tilespmem:$0x1660] =	vst v1  }
0x34: {  	[tilespmem:$0x1670] =	vst v1  }
0x35: {  	[tilespmem:$0x1680] =	vst v1  }
0x36: {  	[tilespmem:$0x1690] =	vst v1  }
0x37: {  	[tilespmem:$0x16A0] =	vst v1  }
0x38: {  	[tilespmem:$0x16B0] =	vst v1  }
0x39: {  	[tilespmem:$0x16C0] =	vst v1  }
0x3a: {  	[tilespmem:$0x16D0] =	vst v1  }
0x3b: {  	[tilespmem:$0x16E0] =	vst v1  }
0x3c: {  	[tilespmem:$0x16F0] =	vst v1  }
0x3d: {  	[tilespmem:s3], [sflag:$0x1] =	stream.linear.gather [hbm4b:s4+s3], $0x1400, $0x38;
	[tilespmem:$0x1980] =	vst v63  }
0x3e: {  	_ =	swait.ge [sflag:s7], $0x1400  }
0x3f: {  	[sflag:s7] =	ssyncset.done $0x0  }
0x40: {  	[sflag:s7] =	ssyncadd.s32 $0xFFFFEC00  }
0x41: {  	[spmem:s5] =	stream.linear.scatter [tilespmem:s8], [sflag:$0x1], $0x280, $0x38;
	[tilespmem:$0x1980] =	vst v63  }
0x42: {  	_ =	swait.ge [sflag:s7], $0x280  }
0x43: {  	[sflag:s7] =	ssyncset.done $0x0  }
0x44: {  	[sflag:s7] =	ssyncadd.s32 $0xFFFFFD80  }
0x45: {  	s17 =	simm.s32 $0x0;
	[bflag:$0x0] =	sbarrier.arrive $0xFFFF  }
0x46: {  	[spmem:s2] =	stream.indirect.scatter.add.f32 [tilespmem:s10], [sflag:$0x1], $0x1, s17, s9, $0xb8;
	[tilespmem:$0x1980] =	vst v63  }
0x47: {  	_ =	swait.ge [sflag:s7], $0x80  }
0x48: {  	s17 =	simm.s32 $0x200;
	[sflag:s7] =	ssyncset.done $0x0  }
.LBB2_2:
0x49: {  	s18 =	sshra.s32 s17, $0x2;
	[sflag:s7] =	ssyncadd.s32 $0xFFFFFF80;
	p0 =	sne.s32 s17, $0x4E00  }
0x4a: {  	[spmem:s2] =	stream.indirect.scatter.add.f32 [tilespmem:s10], [sflag:$0x1], $0x1, s18, s9, $0xb8;
	[tilespmem:$0x1980] =	vst v63  }
.Ltmp0:
0x4b: {  	_ = 	snop;
	(pc) =	sbr.rel @p0 .LBB2_2-.Ltmp0, $4  }
0x4c: {  	_ = 	snop  }
0x4d: {  	s17 =	sadd.s32 $0x200, s17  }
0x4e: {  	_ =	swait.ge [sflag:s7], $0x80  }
0x4f: {  	[sflag:s7] =	ssyncset.done $0x0  }
0x50: {  	s16 =	sadd.s32 $0x1, s16  }
0x51: {  	[sflag:s7] =	ssyncadd.s32 $0xFFFFFF80;
	p0 =	sne.s32 s16, s6  }
.Ltmp1:
0x52: {  	[bflag:$0x0] =	sbarrier.arrive $0xFFFF;
	(pc) =	sbr.rel @p0 .LBB2_1-.Ltmp1, $4  }
0x53: {  	[hbm:s11@s14], [sflag:s12] =	dma.strided [spmem:s13@s15], $0x50, s7, $0x10   }
0x54: {  	_ =	swait.ge [sflag:s7], $0x50  }
0x55: {  	[sflag:s7] =	ssyncset.done $0x0  }
0x56: {  	[sflag:s7] =	ssyncadd.s32 $0xFFFFFFB0  }
0x57: {  	_ =	sfence.sel $0x180000  }
0x58: {  	[bflag:$0x0] =	sbarrier.arrive $0xFFFF  }
0x59: {  	p0 =	sne.s32 s1, $0x0;
	_ =	strace $0x90000047  }
0x5a: {  	s0 =	sadd.s32 @!p0 $0x100000, s0;
	[bflag:$0x2] =	sbarrier.arrive $0xFFFF  }
0x5b: {  	[sflag:s0] =	ssyncadd.tile.s32 @!p0 $0x1;
	_ =	shalt  }
.Lfunc_end2:
_tile_overlayer_lowered:
.L_overlay_start_2:
0x5c: {  	(tag) =	ssettag $0x2  }
0x5d: {  	s0 =	rddreg [dreg:$0x0];
	s2 =	stileid.u32  }
0x5e: {  	s1 =	rddreg [dreg:$0x1];
	p0 =	sne.s32 s2, $0x0  }
0x5f: {  	s3 =	rddreg [dreg:$0x2];
	[bflag:$0x3] =	sbarrier.arrive $0xFFFF;
	s2 =	simm.s32 @!p0 $0x1C01  }
0x60: {  	[timem:s3], [sflag:s2] =	dma.local @!p0 [hbm:s0], s1  }
0x61: {  	s0 =	simm.s32 @!p0 $0x1  }
0x62: {  	_ =	swait.ge @!p0 [sflag:s0], s1  }
0x63: {  	s1 =	ssub.s32 @!p0 $0x0, s1;
	[sflag:s0] =	ssyncset.done @!p0 $0x0  }
0x64: {  	[sflag:s0] =	ssyncadd.s32 @!p0 s1  }
0x65: {  	[bflag:$0x3] =	sbarrier.arrive $0xFFFF  }
0x66: {  	_ =	shalt  }

// kernel: kernel.9.cloned.1.call-start
scs
__scs_entry_jumppad:
0x0: {  	(pc) =	sbr.rel $0x88, $3  }
0x1: {  	(tag) =	ssettag $0x0;
	lr =	simm.s32 $0x1  }
0x2: {  	[smem:$0x3F9B] =	sst lr;
	_ =	strace $0xD0000000  }
0x3: {  	_ = 	snop  }
0x4: {  	_ = 	snop  }
0x5: {  	_ = 	snop  }
0x6: {  	_ = 	snop  }
0x7: {  	_ = 	snop  }
__scs_overlays_trampoline_lowered:
0x8: {  	[smem:$0x3FAA] =	sst s0  }
0x9: {  	[smem:$0x3FAB] =	sst s1  }
0xa: {  	[smem:$0x3FAC] =	sst s2  }
0xb: {  	[smem:$0x3FAD] =	sst s3  }
0xc: {  	[smem:$0x3FAE] =	sst s4  }
0xd: {  	[smem:$0x3FAF] =	sst s5  }
0xe: {  	[smem:$0x3FB0] =	sst s6  }
0xf: {  	[smem:$0x3FB1] =	sst s7  }
0x10: {  	[smem:$0x3FB2] =	sst s8  }
0x11: {  	[smem:$0x3FB3] =	sst s9;
	s0 =	simm.s32 @!p0 $0x0  }
0x12: {  	s1 =	sld [smem:$0x3F99];
	s0 =	simm.s32 @p0 $0x1  }
0x13: {  	[smem:$0x3FB4] =	sst s0;
	s0 =	simm.s32 @!p1 $0x0  }
0x14: {  	s2 =	sld [smem:$0x3F98];
	s0 =	simm.s32 @p1 $0x1  }
0x15: {  	[smem:$0x3FB5] =	sst s0;
	s0 =	simm.s32 @!p2 $0x0  }
0x16: {  	s3 =	sld [smem:$0x3FDB];
	s0 =	simm.s32 @p2 $0x1  }
0x17: {  	s4 =	simm.s32 $0x1BF5;
	[smem:$0x3FB7] =	sst s0  }
0x18: {  	s0 =	sld [smem:$0x3F9A];
	_ =	swait.ge [sflag:s4], $0x0  }
0x19: {  	s7 =	sld [smem:$0x3F9B]  }
0x1a: {  	s8 =	sadd.s32 $0xFFFFE003, lr  }
0x1b: {  	s9 =	sadd.s32 $0xFFFFFEF7, lr;
	s5 =	simm.s32 $0xFFFFFFFF;
	p2 =	slt.u32 s8, $0xFFFFF086  }
0x1c: {  	p1 =	slt.u32 s9, $0xF7A;
	s5 =	simm.s32 @!p2 $0x0  }
0x1d: {  	s5 =	simm.s32 @p1 $0x1;
	p0 =	seq.s32 s7, s2  }
0x1e: {  	s7 =	smul.u32 @!p0 $0xF7A, s2;
	p2 =	seq.s32 @!p0 s5, $0x0  }
0x1f: {  	s9 =	smul.u32 $0xF7A, s1;
	s8 =	simm.s32 @!p0 $0x1BF5;
	p2 =	por !p2, p0  }
0x20: {  	[sflag:s8] =	ssyncset.s32 @!p0 $0xFFFFF086;
	s6 =	sadd.s32 @!p0 s3, s7;
	s7 =	simm.s32 @!p0 $0x108  }
0x21: {  	s3 =	sadd.s32 s3, s9;
	s6 =	sadd.s32 @!p0 $0x88, s6;
	s7 =	simm.s32 @p2 $0x1082  }
0x22: {  	[simem:s7], [sflag:s8] =	dma.local @!p0 [hbm:s6], $0xF7A  }
0x23: {  	s9 =	sor.u32 $0xD0000000, s2;
	s6 =	simm.s32 $0x108;
	_ =	swait.ge @!p0 [sflag:s8], $0x0  }
0x24: {  	s3 =	sadd.s32 $0x88, s3;
	s6 =	simm.s32 @!p1 $0x1082;
	[sflag:s4] =	ssyncset.s32 $0xFFFFF086  }
0x25: {  	[simem:s6], [sflag:s4] =	dma.local [hbm:s3], $0xF7A  }
0x26: {  	[smem:$0x3F9B] =	sst s1;
	(tag) =	ssettag s2;
	_ =	strace s9  }
0x27: {  	s1 =	sld [smem:$0x3FAB]  }
0x28: {  	s2 =	sld [smem:$0x3FAC]  }
0x29: {  	s4 =	sld [smem:$0x3FAE]  }
0x2a: {  	p0 =	seq.s32 s5, $0x0;
	s5 =	sld [smem:$0x3FAF]  }
0x2b: {  	s6 =	sld [smem:$0x3FB0]  }
0x2c: {  	s7 =	sld [smem:$0x3FB1]  }
0x2d: {  	s3 =	simm.s32 $0x108;
	s8 =	sld [smem:$0x3FB2]  }
0x2e: {  	s3 =	simm.s32 @!p0 $0x1082;
	s9 =	sld [smem:$0x3FB3]  }
0x2f: {  	lr =	sadd.s32 s0, s3;
	s0 =	sld [smem:$0x3FAA]  }
0x30: {  	s3 =	sld [smem:$0x3FAD]  }
0x31: {  	[smem:$0x3FB6] =	sst s10  }
0x32: {  	s10 =	sld [smem:$0x3FB4];
	_ =	sdelay $0x3  }
0x33: {  	p0 =	seq.s32 s10, $0x1;
	s10 =	sld [smem:$0x3FB6];
	_ =	sdelay $0x3  }
0x34: {  	[smem:$0x3FB6] =	sst s10  }
0x35: {  	s10 =	sld [smem:$0x3FB5];
	_ =	sdelay $0x3  }
0x36: {  	p1 =	seq.s32 s10, $0x1;
	s10 =	sld [smem:$0x3FB6];
	_ =	sdelay $0x3  }
0x37: {  	[smem:$0x3FB6] =	sst s10  }
0x38: {  	s10 =	sld [smem:$0x3FB7]  }
0x39: {  	_ = 	snop;
	(pc) =	sbr.ind lr, $3  }
0x3a: {  	_ = 	snop  }
0x3b: {  	_ = 	snop  }
0x3c: {  	p2 =	seq.s32 s10, $0x1;
	s10 =	sld [smem:$0x3FB6]  }
0x3d: {  	_ =	shalt  }
0x3e: {  	_ =	shalt  }
0x3f: {  	_ =	shalt  }
0x40: {  	_ =	shalt  }
0x41: {  	_ =	shalt  }
0x42: {  	_ =	shalt  }
0x43: {  	_ =	shalt  }
0x44: {  	_ =	shalt  }
0x45: {  	_ =	shalt  }
0x46: {  	_ =	shalt  }
0x47: {  	_ =	shalt  }
0x48: {  	_ =	shalt  }
0x49: {  	_ =	shalt  }
0x4a: {  	_ =	shalt  }
0x4b: {  	_ =	shalt  }
0x4c: {  	_ =	shalt  }
0x4d: {  	_ =	shalt  }
0x4e: {  	_ =	shalt  }
0x4f: {  	_ =	shalt  }
0x50: {  	_ =	shalt  }
0x51: {  	_ =	shalt  }
0x52: {  	_ =	shalt  }
0x53: {  	_ =	shalt  }
0x54: {  	_ =	shalt  }
0x55: {  	_ =	shalt  }
0x56: {  	_ =	shalt  }
0x57: {  	_ =	shalt  }
0x58: {  	_ =	shalt  }
0x59: {  	_ =	shalt  }
0x5a: {  	_ =	shalt  }
0x5b: {  	_ =	shalt  }
0x5c: {  	_ =	shalt  }
0x5d: {  	_ =	shalt  }
0x5e: {  	_ =	shalt  }
0x5f: {  	_ =	shalt  }
0x60: {  	_ =	shalt  }
0x61: {  	_ =	shalt  }
0x62: {  	_ =	shalt  }
0x63: {  	_ =	shalt  }
0x64: {  	_ =	shalt  }
0x65: {  	_ =	shalt  }
0x66: {  	_ =	shalt  }
0x67: {  	_ =	shalt  }
0x68: {  	_ =	shalt  }
0x69: {  	_ =	shalt  }
0x6a: {  	_ =	shalt  }
0x6b: {  	_ =	shalt  }
0x6c: {  	_ =	shalt  }
0x6d: {  	_ =	shalt  }
0x6e: {  	_ =	shalt  }
0x6f: {  	_ =	shalt  }
0x70: {  	_ =	shalt  }
0x71: {  	_ =	shalt  }
0x72: {  	_ =	shalt  }
0x73: {  	_ =	shalt  }
0x74: {  	_ =	shalt  }
0x75: {  	_ =	shalt  }
0x76: {  	_ =	shalt  }
0x77: {  	_ =	shalt  }
0x78: {  	_ =	shalt  }
0x79: {  	_ =	shalt  }
0x7a: {  	_ =	shalt  }
0x7b: {  	_ =	shalt  }
0x7c: {  	_ =	shalt  }
0x7d: {  	_ =	shalt  }
0x7e: {  	_ =	shalt  }
0x7f: {  	_ =	shalt  }
0x80: {  	_ =	shalt  }
0x81: {  	_ =	shalt  }
0x82: {  	_ =	shalt  }
0x83: {  	_ =	shalt  }
0x84: {  	_ =	shalt  }
0x85: {  	_ =	shalt  }
0x86: {  	_ =	shalt  }
0x87: {  	_ =	shalt  }
.Lfunc_end0:
.L_simem_size_0:
called_computation.1_lowered:
.L_overlay_start_0:
0x88: {  	s2 =	sld [smem:$0x3FD9]  }
0x89: {  	s3 =	sld [smem:$0x3FFE];
	_ =	sdelay $0x1  }
0x8a: {  	s1 =	srdreg.scid  }
0x8b: {  	s0 =	sand.u32 $0x1, s1  }
0x8c: {  	s17 =	sshll.u32 s0, $0xA;
	s2 =	sadd.s32 s3, s2  }
0x8d: {  	s2 =	sadd.s32 s2, s17  }
0x8e: {  	[smem:$0x3FC2] =	sst s2  }
0x8f: {  	_ = 	snop  }
0x90: {  	s2 =	sld [smem:$0x3FD0];
	(tm) =	ssettm $0x1  }
0x91: {  	s18 =	sld [smem:$0x3FFB];
	_ =	sdelay $0x3  }
0x92: {  	_ =	strace s18  }
0x93: {  	s3 =	sld [smem:$0x3FFC];
	_ =	sdelay $0x3  }
0x94: {  	_ =	strace s3  }
0x95: {  	s3 =	sld [smem:$0x3FFD];
	_ =	sdelay $0x3  }
0x96: {  	_ =	strace s3  }
0x97: {  	_ =	strace $0x8FFFFFFF  }
0x98: {  	s19 =	sld [smem:$0x3FDB];
	_ =	sdelay $0x1  }
0x99: {  	s4 =	simm.s32 $_scs_section_size  }
0x9a: {  	s5 =	simm.s32 $_size__tile_overlayer_lowered;
	s6 =	simm.s32 $_tile_overlayer_lowered  }
0x9b: {  	s22 =	simm.s32 $0x1BFF;
	s21 =	sshll.u32 s6, $0x1;
	s3 =	sadd.s32 s4, s19  }
0x9c: {  	s7 =	simm.s32 $0x0;
	s20 =	sshll.u32 s5, $0x1;
	s5 =	sadd.s32 s21, s3  }
0x9d: {  	[timem:s7], [sflag:s22] =	dma.local [hbm:s5], s20  }
0x9e: {  	_ =	swait.ge [sflag:s22], s20  }
0x9f: {  	s4 =	ssub.s32 $0x0, s20;
	[sflag:s22] =	ssyncset.done $0x0  }
0xa0: {  	[sflag:s22] =	ssyncadd.s32 s4;
	_ =	sdelay $0x1  }
0xa1: {  	s23 =	simm.s32 $0x1B8B  }
0xa2: {  	_ =	swait.ge [sflag:s23], $0x1  }
0xa3: {  	[sflag:s23] =	ssyncset.done $0x0  }
0xa4: {  	s25 =	simm.s32 $0x1B8E;
	s24 =	sld [smem:$0x3FFE];
	[sflag:s23] =	ssyncadd.s32 $0xFFFFFFFF  }
0xa5: {  	s26 =	simm.s32 $execute0_lowered;
	[smem:$0x3FD2] =	sst s25  }
0xa6: {  	s5 =	sshll.u32 s26, $0x1;
	_ =	strace $0x80000049;
	[dreg:$0x1] =	wrdreg $0xFFFFFFFF  }
0xa7: {  	s28 =	simm.s32 $_size_execute0_lowered;
	s3 =	sadd.s32 s3, s5;
	[dreg:$0x0] =	wrdreg $0x0  }
0xa8: {  	s5 =	sshll.u32 s28, $0x1;
	[dreg:$0x2] =	wrdreg s3  }
0xa9: {  	[dreg:$0x3] =	wrdreg s5  }
0xaa: {  	[dreg:$0x4] =	wrdreg $0xC0  }
0xab: {  	_ =	task [dreg:s7], $0x5FFFF  }
0xac: {  	[dreg:$0x1] =	wrdreg $0xFFFFFFFF  }
0xad: {  	[dreg:$0x0] =	wrdreg $0x60  }
0xae: {  	[dreg:$0x2] =	wrdreg s24  }
0xaf: {  	[dreg:$0x3] =	wrdreg s2  }
0xb0: {  	[dreg:$0x4] =	wrdreg $0xA8000  }
0xb1: {  	[dreg:$0x5] =	wrdreg $0x9  }
0xb2: {  	_ =	task.clear_ibuf [dreg:s7], $0x6FFFF;
	_ =	strace $0x90000049  }
0xb3: {  	s29 =	simm.s32 $0x9;
	_ =	strace $0x8000004B  }
0xb4: {  	_ =	swait.ge [sflag:s29], $0x1  }
0xb5: {  	[sflag:s29] =	ssyncadd.s32 $0xFFFFFFFF  }
0xb6: {  	_ =	strace $0x9000004B  }
0xb7: {  	_ =	sfence  }
0xb8: {  	s30 =	sld [smem:$0x0];
	_ =	sdelay $0x2  }
0xb9: {  	s31 =	sshll.u32 s1, $0xD;
	s1 =	sshrl.u32 s1, $0x2  }
0xba: {  	s3 =	sand.u32 $0x4000, s31;
	s1 =	sadd.s32 s1, s30  }
0xbb: {  	s0 =	sor.u32 s3, s0;
	s1 =	sshll.u32 s1, $0x11  }
0xbc: {  	s0 =	sor.u32 s1, s0  }
0xbd: {  	s0 =	sadd.s32 $0x8F2B, s0  }
0xbe: {  	[sflag:s0] =	ssyncadd.remote.s32 $0x1  }
0xbf: {  	_ =	sfence.sel $0xFFFF  }
0xc0: {  	[dreg:$0x0] =	wrdreg $0xFFFFFFFF;
	(pc) =	sbr.abs _section_cstart, $3  }
0xc1: {  	[dreg:$0x1] =	wrdreg $0xFFFFFFFF  }
0xc2: {  	_ =	task.clear_ibuf [dreg:s7], $0x2FFFF;
	_ =	strace $0x9FFFFFFF  }
0xc3: {  	(tm) =	ssettm $0x7FFFFFFF  }
tec
execute0_lowered:
.L_overlay_start_1:
0x0: {  	(tag) =	ssettag $0x1  }
0x1: {  	s4 =	rddreg [dreg:$0x0]  }
0x2: {  	s10 =	rddreg [dreg:$0x1]  }
0x3: {  	s1 =	rddreg [dreg:$0x2]  }
0x4: {  	s0 =	rddreg [dreg:$0x3]  }
0x5: {  	s2 =	simm.s32 $0x0;
	s3 =	srdreg.scid;
	s15 =	simm.s32 $0x80  }
0x6: {  	s16 =	simm.s32 $0x2800;
	s17 =	simm.s32 $0x1;
	s5 =	sand.u32 $0x1, s3  }
0x7: {  	s18 =	simm.s32 $0x2;
	s3 =	stileid.u32;
	s6 =	smul.u32 $0x28000, s5  }
0x8: {  	[smem:$0x7FF] =	sst s2;
	s9 =	sadd.s32 $0x1000, s4;
	s7 =	smul.u32 $0x50000, s3  }
0x9: {  	_ =	strace $0x8000004A;
	s28 =	ssub.s32 $0x2, s5;
	s19 =	smul.u32 $0x2800, s3  }
0xa: {  	s30 =	sshll.u32 s3, $0x6;
	s8 =	smul.u32 $0x500, s3;
	s5 =	sshrl.u32 s28, $0x1  }
0xb: {  	s11 =	sadd.s32 s6, s4;
	s29 =	sshrl.u32 s7, $0x2;
	s12 =	ssub.s32 s28, s5  }
0xc: {  	s31 =	sshrl.u32 s19, $0x3;
	s6 =	sor.u32 $0x1C03, s30;
	s7 =	sadd.s32 s9, s8  }
.Ltmp0:
0xd: {  	s8 =	sadd.s32 s10, s8;
	s13 =	sadd.s32 s29, s1;
	(pc) =	sbr.rel .LBB2_1-.Ltmp0, $4  }
0xe: {  	s4 =	sadd.s32 $0x6000, s11;
	s14 =	sadd.s32 $0x280, s31;
	s20 =	sadd.s32 $0x56000, s11  }
0xf: {  	s11 =	smax.u32 s12, $0x1;
	s5 =	sadd.s32 s19, s4;
	s9 =	sadd.s32 s9, s14  }
0x10: {  	s10 =	sadd.s32 s10, s14;
	s12 =	sshrl.u32 s13, $0x3;
	s13 =	simm.s32 $0x3  }
0x11: {  	s14 =	simm.s32 $0x1400;
	s19 =	sadd.s32 s19, s20;
	s20 =	simm.s32 $0x0  }
.LBB2_9:
0x12: {  	_ =	swait.ge [sflag:s18], $0x4000  }
0x13: {  	s20 =	sadd.s32 $0x1, s20;
	[sflag:s18] =	ssyncset.done $0x0  }
0x14: {  	p0 =	sne.s32 s20, s11;
	[sflag:s18] =	ssyncadd.s32 $0xFFFFC000  }
.Ltmp1:
0x15: {  	[bflag:$0x0] =	sbarrier.arrive $0xFFFF;
	(pc) =	sbr.rel @!p0 .LBB2_10-.Ltmp1, $4  }
0x16: {  	[hbm:s19], [sflag:s6] =	dma.local [spmem:s12], $0x2800  }
0x17: {  	_ =	swait.ge [sflag:s13], $0x2800  }
0x18: {  	[sflag:s13] =	ssyncset.done $0x0  }
0x19: {  	[sflag:s13] =	ssyncadd.s32 $0xFFFFD800  }
.LBB2_1:
0x1a: {  	[spmem:s12], [sflag:s6] =	dma.local [hbm:s5], $0x2800  }
0x1b: {  	_ =	swait.ge [sflag:s13], $0x2800  }
0x1c: {  	[sflag:s13] =	ssyncset.done $0x0  }
0x1d: {  	[sflag:s13] =	ssyncadd.s32 $0xFFFFD800  }
0x1e: {  	[bflag:$0x0] =	sbarrier.arrive $0xFFFF  }
0x1f: {  	[tilespmem:s2], [sflag:$0x3] =	stream.linear.gather [hbm4b:s7+s2], $0x1400, $0x38;
	[tilespmem:$0x1E800] =	vst v63  }
0x20: {  	_ =	swait.ge [sflag:s13], $0x1400  }
0x21: {  	[sflag:s13] =	ssyncset.done $0x0  }
0x22: {  	[sflag:s13] =	ssyncadd.s32 $0xFFFFEC00  }
0x23: {  	[tilespmem:s14], [sflag:$0x3] =	stream.linear.gather [hbm4b:s8+s2], $0x1400, $0x38;
	[tilespmem:$0x1E800] =	vst v63  }
.Ltmp2:
0x24: {  	_ = 	snop;
	(pc) =	sbr.rel .LBB2_2-.Ltmp2, $4  }
0x25: {  	_ =	swait.ge [sflag:s13], $0x1400  }
0x26: {  	[sflag:s13] =	ssyncset.done $0x0  }
0x27: {  	s21 =	simm.s32 $0x0;
	[sflag:s13] =	ssyncadd.s32 $0xFFFFEC00  }
0x28: {  	[tilespmem:s16], [sflag:$0x1] =	stream.indirect.gather [hbm4b:s4+s15], $0x80, s14, s15, $0xb8;
	[tilespmem:$0x1E800] =	vst v63  }
.LBB2_4:
0x29: {  	p0 =	slt.u32 s22, $0x28  }
.Ltmp3:
0x2a: {  	_ =	swait.ge [sflag:s17], $0x4000;
	(pc) =	sbr.rel @!p0 .LBB2_5-.Ltmp3, $4  }
0x2b: {  	s23 =	sshll.u32 s23, $0xE;
	s21 =	sshll.u32 s21, $0x7;
	[sflag:s17] =	ssyncset.done $0x0  }
0x2c: {  	s23 =	sor.u32 $0x2800, s23;
	s21 =	sand.u32 $0x3FFFFF80, s21;
	[sflag:s17] =	ssyncadd.s32 $0xFFFFC000  }
0x2d: {  	[spmem:s1] =	stream.indirect.scatter.add.f32 [tilespmem:s23], [sflag:$0x2], $0x80, s21, s15, $0xb8;
	[tilespmem:$0x1E800] =	vst v63  }
0x2e: {  	s21 =	smov.u32 s22  }
.LBB2_2:
0x2f: {  	p0 =	seq.s32 s21, $0x0  }
0x30: {  	p1 =	seq.s32 @!p0 s21, $0x27  }
0x31: {  	p1 =	por p0, !p1  }
.Ltmp4:
0x32: {  	_ = 	snop;
	(pc) =	sbr.rel @!p1 .LBB2_4-.Ltmp4, $4  }
0x33: {  	s22 =	simm.s32 @!p0 $0x2  }
0x34: {  	_ =	swait.ge @!p0 [sflag:s22], $0x4000  }
0x35: {  	[sflag:s22] =	ssyncset.done @!p0 $0x0  }
0x36: {  	s23 =	sand.u32 $0x1, s21;
	[sflag:s22] =	ssyncadd.s32 @!p0 $0xFFFFC000;
	s22 =	simm.s32 @!p0 $0x28  }
0x37: {  	s22 =	sadd.s32 @!p0 $0x1, s21  }
.Ltmp5:
0x38: {  	s22 =	simm.s32 @p0 $0x1;
	(pc) =	sbr.rel .LBB2_4-.Ltmp5, $4  }
0x39: {  	s24 =	sshll.u32 s22, $0x7  }
0x3a: {  	s25 =	sshll.u32 s23, $0xE;
	s24 =	sand.u32 $0x3FFFFF80, s24  }
0x3b: {  	s25 =	sxor.u32 $0x6800, s25;
	s24 =	sadd.s32 $0x1400, s24  }
0x3c: {  	[tilespmem:s25], [sflag:$0x1] =	stream.indirect.gather [hbm4b:s4+s15], $0x80, s24, s15, $0xb8;
	[tilespmem:$0x1E800] =	vst v63  }
.LBB2_5:
0x3d: {  	_ =	swait.ge [sflag:s18], $0x4000  }
0x3e: {  	[sflag:s18] =	ssyncset.done $0x0  }
0x3f: {  	s21 =	simm.s32 $0x0;
	[sflag:s18] =	ssyncadd.s32 $0xFFFFC000  }
0x40: {  	[tilespmem:s21], [sflag:$0x3] =	stream.linear.gather [hbm4b:s9+s21], $0x1400, $0x38;
	[tilespmem:$0x1E800] =	vst v63  }
0x41: {  	_ =	swait.ge [sflag:s13], $0x1400  }
0x42: {  	[sflag:s13] =	ssyncset.done $0x0  }
0x43: {  	[sflag:s13] =	ssyncadd.s32 $0xFFFFEC00  }
0x44: {  	[tilespmem:s14], [sflag:$0x3] =	stream.linear.gather [hbm4b:s10+s21], $0x1400, $0x38;
	[tilespmem:$0x1E800] =	vst v63  }
.Ltmp6:
0x45: {  	_ = 	snop;
	(pc) =	sbr.rel .LBB2_6-.Ltmp6, $4  }
0x46: {  	_ =	swait.ge [sflag:s13], $0x1400  }
0x47: {  	[sflag:s13] =	ssyncset.done $0x0  }
0x48: {  	[sflag:s13] =	ssyncadd.s32 $0xFFFFEC00  }
0x49: {  	[tilespmem:s16], [sflag:$0x1] =	stream.indirect.gather [hbm4b:s4+s15], $0x80, s14, s15, $0xb8;
	[tilespmem:$0x1E800] =	vst v63  }
.LBB2_8:
0x4a: {  	p0 =	slt.u32 s22, $0x28  }
.Ltmp7:
0x4b: {  	_ =	swait.ge [sflag:s17], $0x4000;
	(pc) =	sbr.rel @!p0 .LBB2_9-.Ltmp7, $4  }
0x4c: {  	s23 =	sshll.u32 s23, $0xE;
	s21 =	sshll.u32 s21, $0x7;
	[sflag:s17] =	ssyncset.done $0x0  }
0x4d: {  	s23 =	sor.u32 $0x2800, s23;
	s21 =	sand.u32 $0x3FFFFF80, s21;
	[sflag:s17] =	ssyncadd.s32 $0xFFFFC000  }
0x4e: {  	[spmem:s1] =	stream.indirect.scatter.add.f32 [tilespmem:s23], [sflag:$0x2], $0x80, s21, s15, $0xb8;
	[tilespmem:$0x1E800] =	vst v63  }
0x4f: {  	s21 =	smov.u32 s22  }
.LBB2_6:
0x50: {  	p0 =	seq.s32 s21, $0x0  }
0x51: {  	p1 =	seq.s32 @!p0 s21, $0x27  }
0x52: {  	p1 =	por p0, !p1  }
.Ltmp8:
0x53: {  	_ = 	snop;
	(pc) =	sbr.rel @!p1 .LBB2_8-.Ltmp8, $4  }
0x54: {  	s22 =	simm.s32 @!p0 $0x2  }
0x55: {  	_ =	swait.ge @!p0 [sflag:s22], $0x4000  }
0x56: {  	[sflag:s22] =	ssyncset.done @!p0 $0x0  }
0x57: {  	s23 =	sand.u32 $0x1, s21;
	[sflag:s22] =	ssyncadd.s32 @!p0 $0xFFFFC000;
	s22 =	simm.s32 @!p0 $0x28  }
0x58: {  	s22 =	sadd.s32 @!p0 $0x1, s21  }
.Ltmp9:
0x59: {  	s22 =	simm.s32 @p0 $0x1;
	(pc) =	sbr.rel .LBB2_8-.Ltmp9, $4  }
0x5a: {  	s24 =	sshll.u32 s22, $0x7  }
0x5b: {  	s25 =	sshll.u32 s23, $0xE;
	s24 =	sand.u32 $0x3FFFFF80, s24  }
0x5c: {  	s25 =	sxor.u32 $0x6800, s25;
	s24 =	sadd.s32 $0x1400, s24  }
0x5d: {  	[tilespmem:s25], [sflag:$0x1] =	stream.indirect.gather [hbm4b:s4+s15], $0x80, s24, s15, $0xb8;
	[tilespmem:$0x1E800] =	vst v63  }
.LBB2_10:
0x5e: {  	_ =	sfence.sel $0x180000  }
0x5f: {  	[bflag:$0x0] =	sbarrier.arrive $0xFFFF  }
0x60: {  	p0 =	sne.s32 s3, $0x0;
	_ =	strace $0x9000004A  }
0x61: {  	s0 =	sadd.s32 @!p0 $0x100000, s0;
	[bflag:$0x2] =	sbarrier.arrive $0xFFFF  }
0x62: {  	[sflag:s0] =	ssyncadd.tile.s32 @!p0 $0x1;
	_ =	shalt  }
.Lfunc_end2:
_tile_overlayer_lowered:
.L_overlay_start_2:
0x63: {  	(tag) =	ssettag $0x2  }
0x64: {  	s0 =	rddreg [dreg:$0x0];
	s2 =	stileid.u32  }
0x65: {  	s1 =	rddreg [dreg:$0x1];
	p0 =	sne.s32 s2, $0x0  }
0x66: {  	s3 =	rddreg [dreg:$0x2];
	[bflag:$0x3] =	sbarrier.arrive $0xFFFF;
	s2 =	simm.s32 @!p0 $0x1C03  }
0x67: {  	[timem:s3], [sflag:s2] =	dma.local @!p0 [hbm:s0], s1  }
0x68: {  	s0 =	simm.s32 @!p0 $0x3  }
0x69: {  	_ =	swait.ge @!p0 [sflag:s0], s1  }
0x6a: {  	s1 =	ssub.s32 @!p0 $0x0, s1;
	[sflag:s0] =	ssyncset.done @!p0 $0x0  }
0x6b: {  	[sflag:s0] =	ssyncadd.s32 @!p0 s1  }
0x6c: {  	[bflag:$0x3] =	sbarrier.arrive $0xFFFF  }
0x6d: {  	_ =	shalt  }

</sc_bundles>
